<compile_context>
chip_gen: v7x
topology: tpu7x:2x2x1
jax: 0.10.2.dev20260603
libtpu: 0.0.44.dev20260713+nightly
codegen_flags: <defaults>
</compile_context>

<pallas_src>
import jax
import jax.numpy as jnp
from jax import lax
from jax.experimental import pallas as pl
from jax.experimental.pallas import tpu as pltpu
from jax.experimental.pallas import tpu_sc as plsc

N_NODES = 10000
D_FEAT = 256
NUM_PATHS = 50000
PATH_LEN = 4

TOTAL_ROWS = NUM_PATHS * PATH_LEN
CHUNK = 80
NUM_CHUNKS = TOTAL_ROWS // CHUNK
NUM_WORKERS = 32
BASE_CHUNKS = NUM_CHUNKS // NUM_WORKERS
EXTRA = NUM_CHUNKS - BASE_CHUNKS * NUM_WORKERS
MAX_CHUNKS_W = BASE_CHUNKS + 1
NBUF = 5
SDELAY = 2
STEPS = (MAX_CHUNKS_W + SDELAY + NBUF - 1) // NBUF
IDX_PAD = ((NUM_WORKERS - 1) * BASE_CHUNKS + EXTRA + MAX_CHUNKS_W) * CHUNK


def _gather_body(idx_hbm, x_hbm, out_hbm, idx_v, rows_v, gsem, ssem):
    nc = jnp.int32(2)
    wid = lax.axis_index("s") * nc + lax.axis_index("c")
    count = jnp.int32(BASE_CHUNKS) + jnp.where(wid < EXTRA, 1, 0).astype(jnp.int32)
    start = jnp.int32(BASE_CHUNKS) * wid + jnp.minimum(wid, jnp.int32(EXTRA))
    pltpu.sync_copy(
        idx_hbm.at[pl.ds(start * jnp.int32(CHUNK), MAX_CHUNKS_W * CHUNK)], idx_v)

    def gather_args(j, b):
        bi = jnp.int32(b)
        idx_c = idx_v.at[pl.ds(j * jnp.int32(CHUNK), CHUNK)]
        return x_hbm.at[idx_c], rows_v.at[bi], gsem.at[bi]

    def store_args(j, b):
        bi = jnp.int32(b)
        row0 = (start + j) * jnp.int32(CHUNK)
        return rows_v.at[bi], out_hbm.at[pl.ds(row0, CHUNK)], ssem.at[bi]

    def gather(j, b):
        pltpu.async_copy(*gather_args(j, b))

    def gather_wait(j, b):
        pltpu.make_async_copy(*gather_args(j, b)).wait()

    def store(j, b):
        pltpu.async_copy(*store_args(j, b))

    def store_wait(j, b):
        pltpu.make_async_copy(*store_args(j, b)).wait()

    for b in range(NBUF):
        gather(jnp.int32(b), b)

    @pl.loop(jnp.int32(0), jnp.int32(STEPS))
    def step(s):
        jbase = s * jnp.int32(NBUF)
        for b in range(NBUF):
            j = jbase + jnp.int32(b)

            @pl.when(j < count)
            def _():
                gather_wait(j, b % NBUF)
                store(j, b % NBUF)

            jp = j - jnp.int32(SDELAY)
            bp = (b - SDELAY) % NBUF
            jn = jp + jnp.int32(NBUF)

            @pl.when((jp >= 0) & (jp < count))
            def _():
                store_wait(jp, bp)

            @pl.when((jn >= jnp.int32(NBUF)) & (jn < count))
            def _():
                gather(jn, bp)


@jax.jit
def _sc_gather(idx_flat, x):
    mesh = plsc.VectorSubcoreMesh(core_axis_name="c", subcore_axis_name="s")
    f = pl.kernel(
        _gather_body,
        mesh=mesh,
        out_type=jax.ShapeDtypeStruct((TOTAL_ROWS, D_FEAT), jnp.float32),
        scratch_types=[
            pltpu.VMEM((MAX_CHUNKS_W * CHUNK,), jnp.int32),
            pltpu.VMEM((NBUF, CHUNK, D_FEAT), jnp.float32),
            pltpu.SemaphoreType.DMA((NBUF,)),
            pltpu.SemaphoreType.DMA((NBUF,)),
        ],
    )
    return f(idx_flat, x)


def kernel(path_index_without_target, x, att):
    del att
    idx = path_index_without_target.T.reshape(-1).astype(jnp.int32)
    idx = jnp.pad(idx, (0, IDX_PAD - TOTAL_ROWS))
    out = _sc_gather(idx, x.astype(jnp.float32))
    return out.reshape(PATH_LEN, NUM_PATHS, D_FEAT)

# --- scband reference (transcript-rebuilt; emitter-appended) ---
"""Pipeline reference for scband-att-path-encoder-37056977829967 (READ-ONLY COPY).

The authoritative reference and input builder live on the scoring server;
editing this copy changes nothing except your own understanding.
"""

import jax, jax.numpy as jnp
import numpy as np
jax.config.update('jax_enable_x64', True)

N_NODES = 10000
D_FEAT = 256
HEADS = 8
NUM_PATHS = 50000
PATH_LEN = 4

def setup_inputs(seed: int = 0) -> dict:
    key = jax.random.key(seed)
    k1, k2, k3 = jax.random.split(key, 3)
    x = jax.random.normal(k1, (N_NODES, D_FEAT), dtype=jnp.float32)
    path_index_without_target = jax.random.randint(k2, (NUM_PATHS, PATH_LEN), 0, N_NODES, dtype=jnp.int64)
    # learned attention parameter: Parameter(torch.Tensor(1, heads, 2*out_channels)), glorot init.
    # out_channels is undefined in the original source; we assume out_channels == in_channels.
    fan = HEADS * 2 * D_FEAT
    att = jax.random.normal(k3, (1, HEADS, 2 * D_FEAT), dtype=jnp.float32) * np.sqrt(2.0 / fan).astype(np.float32)
    return {"path_index_without_target": path_index_without_target, "x": x, "att": att}

def reference(path_index_without_target, x, att):
    # Faithful translation of the (truncated) forward:
    #   x_path = x[path_index_without_target.T]
    # gather node features along each path position -> [path_len, num_paths, d_feat]
    x_path = jnp.take(x, path_index_without_target.T, axis=0)
    return x_path

if __name__ == "__main__":
    import jax
    _d = setup_inputs()
    print(jax.jit(kernel)(*tuple(_d.values())))

</pallas_src>

<mosaic_0001>
#map = affine_map<(d0, d1) -> (0)>
#map1 = affine_map<(d0, d1) -> (0, 0)>
module attributes {stable_mosaic.version = 14 : i64} {
  func.func @_gather_body(%arg0: i32, %arg1: i32, %arg2: memref<200080xi32, #tpu.memory_space<hbm>>, %arg3: memref<10000x256xf32, #tpu.memory_space<hbm>>, %arg4: memref<200000x256xf32, #tpu.memory_space<hbm>>, %arg5: memref<6320xi32, #tpu.memory_space<vmem>>, %arg6: memref<5x80x256xf32, #tpu.memory_space<vmem>>, %arg7: memref<5x!tpu.dma_semaphore, #tpu.memory_space<semaphore_mem>>, %arg8: memref<5x!tpu.dma_semaphore, #tpu.memory_space<semaphore_mem>>) attributes {dimension_semantics = [#tpu.dimension_semantics<core_parallel>, #tpu.dimension_semantics<subcore_parallel>], iteration_bounds = array<i64: 2, 16>, scalar_prefetch = 0 : i64, scratch_operands = 4 : i64, tpu.core_type = #tpu.core_type<sc_vector_subcore>, window_params = [{transform_indices = #map}, {transform_indices = #map1}, {transform_indices = #map1}]} {
    %mul3A = arith.constant 2 : i32
    %mul3A_0 = arith.muli %arg1, %mul3A : i32
    %add3A = arith.addi %mul3A_0, %arg0 : i32
    %lt3A = arith.constant 4 : i32
    %lt3A_1 = arith.cmpi slt, %add3A, %lt3A : i32
    %jit3A = arith.constant 1 : i64
    %jit3A_2 = arith.constant 0 : i64
    %select_n3A = arith.select %lt3A_1, %jit3A, %jit3A_2 : i64
    %convert_element_type3A = arith.trunci %select_n3A : i64 to i32
    %add3A_3 = arith.constant 78 : i32
    %add3A_4 = arith.addi %add3A_3, %convert_element_type3A : i32
    %mul3A_5 = arith.constant 78 : i32
    %mul3A_6 = arith.muli %mul3A_5, %add3A : i32
    %min3A = arith.constant 4 : i32
    %min3A_7 = arith.minsi %add3A, %min3A : i32
    %add3A_8 = arith.addi %mul3A_6, %min3A_7 : i32
    %mul3A_9 = arith.constant 80 : i32
    %mul3A_10 = arith.muli %add3A_8, %mul3A_9 : i32
    "tpu.region"() ({
      %run_scoped3A = tpu.sem_alloc : memref<!tpu.dma_semaphore, #tpu.memory_space<semaphore_mem>>
      %dma_start3A_102 = tpu.memref_slice %arg2[%mul3A_10] : memref<200080xi32, #tpu.memory_space<hbm>> -> memref<6320xi32, #tpu.memory_space<hbm>>
      %dma_start3A_103 = tpu.memref_slice %arg2[%mul3A_10] : memref<200080xi32, #tpu.memory_space<hbm>> -> memref<6320xi32, #tpu.memory_space<hbm>>
      tpu.enqueue_dma source(%dma_start3A_103 : memref<6320xi32, #tpu.memory_space<hbm>>) target(%arg5 : memref<6320xi32, #tpu.memory_space<vmem>>) target_semaphore(%run_scoped3A : memref<!tpu.dma_semaphore, #tpu.memory_space<semaphore_mem>>)
      %dma_wait3A = tpu.memref_slice %arg2[%mul3A_10] : memref<200080xi32, #tpu.memory_space<hbm>> -> memref<6320xi32, #tpu.memory_space<hbm>>
      %dma_wait3A_104 = tpu.memref_slice %arg2[%mul3A_10] : memref<200080xi32, #tpu.memory_space<hbm>> -> memref<6320xi32, #tpu.memory_space<hbm>>
      tpu.wait_dma2 semaphore(%run_scoped3A : memref<!tpu.dma_semaphore, #tpu.memory_space<semaphore_mem>>) src(%dma_wait3A_104 : memref<6320xi32, #tpu.memory_space<hbm>>) dst(%arg5 : memref<6320xi32, #tpu.memory_space<vmem>>)
      tpu.yield
    }) : () -> ()
    %mul3A_11 = arith.constant 0 : i32
    %mul3A_12 = arith.constant 80 : i32
    %mul3A_13 = arith.muli %mul3A_11, %mul3A_12 : i32
    %dma_start3A = arith.constant 0 : i32
    %dma_start3A_14 = arith.constant 0 : i32
    %dma_start3A_15 = arith.constant 0 : i32
    %dma_start3A_16 = arith.constant 0 : i32
    %dma_start3A_17 = tpu.memref_slice %arg6[%dma_start3A, %dma_start3A_15, %dma_start3A_16] : memref<5x80x256xf32, #tpu.memory_space<vmem>> -> memref<1x80x256xf32, #tpu.memory_space<vmem>>
    %dma_start3A_18 = tpu.memref_squeeze %dma_start3A_17 : memref<1x80x256xf32, #tpu.memory_space<vmem>> -> memref<80x256xf32, #tpu.memory_space<vmem>>
    %dma_start3A_19 = tpu.memref_slice %arg5[%mul3A_13] : memref<6320xi32, #tpu.memory_space<vmem>> -> memref<80xi32, #tpu.memory_space<vmem>>
    %dma_start3A_20 = arith.constant 0 : i32
    %dma_start3A_21 = arith.constant 0 : i32
    %dma_start3A_22 = tpu.memref_slice %arg3[%dma_start3A_20, %dma_start3A_21] : memref<10000x256xf32, #tpu.memory_space<hbm>> -> memref<10000x256xf32, #tpu.memory_space<hbm>>
    %dma_start3A_23 = tpu.memref_slice %arg7[%dma_start3A_14] : memref<5x!tpu.dma_semaphore, #tpu.memory_space<semaphore_mem>> -> memref<1x!tpu.dma_semaphore, #tpu.memory_space<semaphore_mem>>
    %dma_start3A_24 = tpu.memref_squeeze %dma_start3A_23 : memref<1x!tpu.dma_semaphore, #tpu.memory_space<semaphore_mem>> -> memref<!tpu.dma_semaphore, #tpu.memory_space<semaphore_mem>>
    tpu.enqueue_indirect_dma source(%dma_start3A_22 : memref<10000x256xf32, #tpu.memory_space<hbm>>) target(%dma_start3A_18 : memref<80x256xf32, #tpu.memory_space<vmem>>) offsets(%dma_start3A_19 : memref<80xi32, #tpu.memory_space<vmem>>) semaphore(%dma_start3A_24 : memref<!tpu.dma_semaphore, #tpu.memory_space<semaphore_mem>>)
    %mul3A_25 = arith.constant 1 : i32
    %mul3A_26 = arith.constant 80 : i32
    %mul3A_27 = arith.muli %mul3A_25, %mul3A_26 : i32
    %dma_start3A_28 = arith.constant 1 : i32
    %dma_start3A_29 = arith.constant 1 : i32
    %dma_start3A_30 = arith.constant 0 : i32
    %dma_start3A_31 = arith.constant 0 : i32
    %dma_start3A_32 = tpu.memref_slice %arg6[%dma_start3A_28, %dma_start3A_30, %dma_start3A_31] : memref<5x80x256xf32, #tpu.memory_space<vmem>> -> memref<1x80x256xf32, #tpu.memory_space<vmem>>
    %dma_start3A_33 = tpu.memref_squeeze %dma_start3A_32 : memref<1x80x256xf32, #tpu.memory_space<vmem>> -> memref<80x256xf32, #tpu.memory_space<vmem>>
    %dma_start3A_34 = tpu.memref_slice %arg5[%mul3A_27] : memref<6320xi32, #tpu.memory_space<vmem>> -> memref<80xi32, #tpu.memory_space<vmem>>
    %dma_start3A_35 = arith.constant 0 : i32
    %dma_start3A_36 = arith.constant 0 : i32
    %dma_start3A_37 = tpu.memref_slice %arg3[%dma_start3A_35, %dma_start3A_36] : memref<10000x256xf32, #tpu.memory_space<hbm>> -> memref<10000x256xf32, #tpu.memory_space<hbm>>
    %dma_start3A_38 = tpu.memref_slice %arg7[%dma_start3A_29] : memref<5x!tpu.dma_semaphore, #tpu.memory_space<semaphore_mem>> -> memref<1x!tpu.dma_semaphore, #tpu.memory_space<semaphore_mem>>
    %dma_start3A_39 = tpu.memref_squeeze %dma_start3A_38 : memref<1x!tpu.dma_semaphore, #tpu.memory_space<semaphore_mem>> -> memref<!tpu.dma_semaphore, #tpu.memory_space<semaphore_mem>>
    tpu.enqueue_indirect_dma source(%dma_start3A_37 : memref<10000x256xf32, #tpu.memory_space<hbm>>) target(%dma_start3A_33 : memref<80x256xf32, #tpu.memory_space<vmem>>) offsets(%dma_start3A_34 : memref<80xi32, #tpu.memory_space<vmem>>) semaphore(%dma_start3A_39 : memref<!tpu.dma_semaphore, #tpu.memory_space<semaphore_mem>>)
    %mul3A_40 = arith.constant 2 : i32
    %mul3A_41 = arith.constant 80 : i32
    %mul3A_42 = arith.muli %mul3A_40, %mul3A_41 : i32
    %dma_start3A_43 = arith.constant 2 : i32
    %dma_start3A_44 = arith.constant 2 : i32
    %dma_start3A_45 = arith.constant 0 : i32
    %dma_start3A_46 = arith.constant 0 : i32
    %dma_start3A_47 = tpu.memref_slice %arg6[%dma_start3A_43, %dma_start3A_45, %dma_start3A_46] : memref<5x80x256xf32, #tpu.memory_space<vmem>> -> memref<1x80x256xf32, #tpu.memory_space<vmem>>
    %dma_start3A_48 = tpu.memref_squeeze %dma_start3A_47 : memref<1x80x256xf32, #tpu.memory_space<vmem>> -> memref<80x256xf32, #tpu.memory_space<vmem>>
    %dma_start3A_49 = tpu.memref_slice %arg5[%mul3A_42] : memref<6320xi32, #tpu.memory_space<vmem>> -> memref<80xi32, #tpu.memory_space<vmem>>
    %dma_start3A_50 = arith.constant 0 : i32
    %dma_start3A_51 = arith.constant 0 : i32
    %dma_start3A_52 = tpu.memref_slice %arg3[%dma_start3A_50, %dma_start3A_51] : memref<10000x256xf32, #tpu.memory_space<hbm>> -> memref<10000x256xf32, #tpu.memory_space<hbm>>
    %dma_start3A_53 = tpu.memref_slice %arg7[%dma_start3A_44] : memref<5x!tpu.dma_semaphore, #tpu.memory_space<semaphore_mem>> -> memref<1x!tpu.dma_semaphore, #tpu.memory_space<semaphore_mem>>
    %dma_start3A_54 = tpu.memref_squeeze %dma_start3A_53 : memref<1x!tpu.dma_semaphore, #tpu.memory_space<semaphore_mem>> -> memref<!tpu.dma_semaphore, #tpu.memory_space<semaphore_mem>>
    tpu.enqueue_indirect_dma source(%dma_start3A_52 : memref<10000x256xf32, #tpu.memory_space<hbm>>) target(%dma_start3A_48 : memref<80x256xf32, #tpu.memory_space<vmem>>) offsets(%dma_start3A_49 : memref<80xi32, #tpu.memory_space<vmem>>) semaphore(%dma_start3A_54 : memref<!tpu.dma_semaphore, #tpu.memory_space<semaphore_mem>>)
    %mul3A_55 = arith.constant 3 : i32
    %mul3A_56 = arith.constant 80 : i32
    %mul3A_57 = arith.muli %mul3A_55, %mul3A_56 : i32
    %dma_start3A_58 = arith.constant 3 : i32
    %dma_start3A_59 = arith.constant 3 : i32
    %dma_start3A_60 = arith.constant 0 : i32
    %dma_start3A_61 = arith.constant 0 : i32
    %dma_start3A_62 = tpu.memref_slice %arg6[%dma_start3A_58, %dma_start3A_60, %dma_start3A_61] : memref<5x80x256xf32, #tpu.memory_space<vmem>> -> memref<1x80x256xf32, #tpu.memory_space<vmem>>
    %dma_start3A_63 = tpu.memref_squeeze %dma_start3A_62 : memref<1x80x256xf32, #tpu.memory_space<vmem>> -> memref<80x256xf32, #tpu.memory_space<vmem>>
    %dma_start3A_64 = tpu.memref_slice %arg5[%mul3A_57] : memref<6320xi32, #tpu.memory_space<vmem>> -> memref<80xi32, #tpu.memory_space<vmem>>
    %dma_start3A_65 = arith.constant 0 : i32
    %dma_start3A_66 = arith.constant 0 : i32
    %dma_start3A_67 = tpu.memref_slice %arg3[%dma_start3A_65, %dma_start3A_66] : memref<10000x256xf32, #tpu.memory_space<hbm>> -> memref<10000x256xf32, #tpu.memory_space<hbm>>
    %dma_start3A_68 = tpu.memref_slice %arg7[%dma_start3A_59] : memref<5x!tpu.dma_semaphore, #tpu.memory_space<semaphore_mem>> -> memref<1x!tpu.dma_semaphore, #tpu.memory_space<semaphore_mem>>
    %dma_start3A_69 = tpu.memref_squeeze %dma_start3A_68 : memref<1x!tpu.dma_semaphore, #tpu.memory_space<semaphore_mem>> -> memref<!tpu.dma_semaphore, #tpu.memory_space<semaphore_mem>>
    tpu.enqueue_indirect_dma source(%dma_start3A_67 : memref<10000x256xf32, #tpu.memory_space<hbm>>) target(%dma_start3A_63 : memref<80x256xf32, #tpu.memory_space<vmem>>) offsets(%dma_start3A_64 : memref<80xi32, #tpu.memory_space<vmem>>) semaphore(%dma_start3A_69 : memref<!tpu.dma_semaphore, #tpu.memory_space<semaphore_mem>>)
    %mul3A_70 = arith.constant 4 : i32
    %mul3A_71 = arith.constant 80 : i32
    %mul3A_72 = arith.muli %mul3A_70, %mul3A_71 : i32
    %dma_start3A_73 = arith.constant 4 : i32
    %dma_start3A_74 = arith.constant 4 : i32
    %dma_start3A_75 = arith.constant 0 : i32
    %dma_start3A_76 = arith.constant 0 : i32
    %dma_start3A_77 = tpu.memref_slice %arg6[%dma_start3A_73, %dma_start3A_75, %dma_start3A_76] : memref<5x80x256xf32, #tpu.memory_space<vmem>> -> memref<1x80x256xf32, #tpu.memory_space<vmem>>
    %dma_start3A_78 = tpu.memref_squeeze %dma_start3A_77 : memref<1x80x256xf32, #tpu.memory_space<vmem>> -> memref<80x256xf32, #tpu.memory_space<vmem>>
    %dma_start3A_79 = tpu.memref_slice %arg5[%mul3A_72] : memref<6320xi32, #tpu.memory_space<vmem>> -> memref<80xi32, #tpu.memory_space<vmem>>
    %dma_start3A_80 = arith.constant 0 : i32
    %dma_start3A_81 = arith.constant 0 : i32
    %dma_start3A_82 = tpu.memref_slice %arg3[%dma_start3A_80, %dma_start3A_81] : memref<10000x256xf32, #tpu.memory_space<hbm>> -> memref<10000x256xf32, #tpu.memory_space<hbm>>
    %dma_start3A_83 = tpu.memref_slice %arg7[%dma_start3A_74] : memref<5x!tpu.dma_semaphore, #tpu.memory_space<semaphore_mem>> -> memref<1x!tpu.dma_semaphore, #tpu.memory_space<semaphore_mem>>
    %dma_start3A_84 = tpu.memref_squeeze %dma_start3A_83 : memref<1x!tpu.dma_semaphore, #tpu.memory_space<semaphore_mem>> -> memref<!tpu.dma_semaphore, #tpu.memory_space<semaphore_mem>>
    tpu.enqueue_indirect_dma source(%dma_start3A_82 : memref<10000x256xf32, #tpu.memory_space<hbm>>) target(%dma_start3A_78 : memref<80x256xf32, #tpu.memory_space<vmem>>) offsets(%dma_start3A_79 : memref<80xi32, #tpu.memory_space<vmem>>) semaphore(%dma_start3A_84 : memref<!tpu.dma_semaphore, #tpu.memory_space<semaphore_mem>>)
    %sub3A = arith.constant 17 : i32
    %sub3A_85 = arith.constant 0 : i32
    %sub3A_86 = arith.subi %sub3A, %sub3A_85 : i32
    %sub3A_87 = arith.constant 1 : i32
    %sub3A_88 = arith.constant 1 : i32
    %sub3A_89 = arith.subi %sub3A_87, %sub3A_88 : i32
    %add3A_90 = arith.addi %sub3A_86, %sub3A_89 : i32
    %div3A = arith.constant 1 : i32
    %div3A_91 = arith.divsi %add3A_90, %div3A : i32
    %while3A = arith.constant 1 : i32
    %while3A_92 = arith.constant 0 : i32
    %while3A_93 = arith.constant 0 : i32
    %while3A_94 = arith.subi %div3A_91, %while3A_93 : i32
    %while3A_95 = arith.addi %while3A_93, %while3A_94 : i32
    %while3A_96 = arith.constant 1 : i32
    %while3A_97 = arith.divsi %while3A_94, %while3A_96 : i32
    %while3A_98 = arith.muli %while3A_97, %while3A_96 : i32
    %while3A_99 = arith.addi %while3A_93, %while3A_98 : i32
    %while3A_100 = arith.constant 1 : i32
    scf.for %while3A_102 = %while3A_93 to %while3A_99 step %while3A_100  : i32 {
      %mul3A_103 = arith.muli %while3A_102, %while3A : i32
      %add3A_104 = arith.addi %while3A_92, %mul3A_103 : i32
      %mul3A_105 = arith.constant 5 : i32
      %mul3A_106 = arith.muli %add3A_104, %mul3A_105 : i32
      %add3A_107 = arith.constant 0 : i32
      %add3A_108 = arith.addi %mul3A_106, %add3A_107 : i32
      %lt3A_109 = arith.cmpi slt, %add3A_108, %add3A_4 : i32
      %convert_element_type3A_110 = arith.extui %lt3A_109 : i1 to i32
      %cond3A = arith.constant 0 : i32
      %cond3A_111 = arith.cmpi ne, %convert_element_type3A_110, %cond3A : i32
      scf.if %cond3A_111 {
        %mul3A_224 = arith.constant 80 : i32
        %mul3A_225 = arith.muli %add3A_108, %mul3A_224 : i32
        %dma_wait3A = arith.constant 0 : i32
        %dma_wait3A_226 = arith.constant 0 : i32
        %dma_wait3A_227 = arith.constant 0 : i32
        %dma_wait3A_228 = arith.constant 0 : i32
        %dma_wait3A_229 = tpu.memref_slice %arg6[%dma_wait3A, %dma_wait3A_227, %dma_wait3A_228] : memref<5x80x256xf32, #tpu.memory_space<vmem>> -> memref<1x80x256xf32, #tpu.memory_space<vmem>>
        %dma_wait3A_230 = tpu.memref_squeeze %dma_wait3A_229 : memref<1x80x256xf32, #tpu.memory_space<vmem>> -> memref<80x256xf32, #tpu.memory_space<vmem>>
        %dma_wait3A_231 = tpu.memref_slice %arg5[%mul3A_225] : memref<6320xi32, #tpu.memory_space<vmem>> -> memref<80xi32, #tpu.memory_space<vmem>>
        %dma_wait3A_232 = arith.constant 0 : i32
        %dma_wait3A_233 = arith.constant 0 : i32
        %dma_wait3A_234 = tpu.memref_slice %arg3[%dma_wait3A_232, %dma_wait3A_233] : memref<10000x256xf32, #tpu.memory_space<hbm>> -> memref<10000x256xf32, #tpu.memory_space<hbm>>
        %dma_wait3A_235 = tpu.memref_slice %arg7[%dma_wait3A_226] : memref<5x!tpu.dma_semaphore, #tpu.memory_space<semaphore_mem>> -> memref<1x!tpu.dma_semaphore, #tpu.memory_space<semaphore_mem>>
        %dma_wait3A_236 = tpu.memref_squeeze %dma_wait3A_235 : memref<1x!tpu.dma_semaphore, #tpu.memory_space<semaphore_mem>> -> memref<!tpu.dma_semaphore, #tpu.memory_space<semaphore_mem>>
        tpu.wait_indirect_dma semaphore(%dma_wait3A_236 : memref<!tpu.dma_semaphore, #tpu.memory_space<semaphore_mem>>) src(%dma_wait3A_234 : memref<10000x256xf32, #tpu.memory_space<hbm>>) dst(%dma_wait3A_230 : memref<80x256xf32, #tpu.memory_space<vmem>>)
        %add3A_237 = arith.addi %add3A_8, %add3A_108 : i32
        %mul3A_238 = arith.constant 80 : i32
        %mul3A_239 = arith.muli %add3A_237, %mul3A_238 : i32
        %dma_start3A_240 = arith.constant 0 : i32
        %dma_start3A_241 = arith.constant 0 : i32
        %dma_start3A_242 = arith.constant 0 : i32
        %dma_start3A_243 = arith.constant 0 : i32
        %dma_start3A_244 = tpu.memref_slice %arg6[%dma_start3A_240, %dma_start3A_242, %dma_start3A_243] : memref<5x80x256xf32, #tpu.memory_space<vmem>> -> memref<1x80x256xf32, #tpu.memory_space<vmem>>
        %dma_start3A_245 = tpu.memref_squeeze %dma_start3A_244 : memref<1x80x256xf32, #tpu.memory_space<vmem>> -> memref<80x256xf32, #tpu.memory_space<vmem>>
        %dma_start3A_246 = arith.constant 0 : i32
        %dma_start3A_247 = tpu.memref_slice %arg4[%mul3A_239, %dma_start3A_246] : memref<200000x256xf32, #tpu.memory_space<hbm>> -> memref<80x256xf32, #tpu.memory_space<hbm>>
        %dma_start3A_248 = tpu.memref_slice %arg8[%dma_start3A_241] : memref<5x!tpu.dma_semaphore, #tpu.memory_space<semaphore_mem>> -> memref<1x!tpu.dma_semaphore, #tpu.memory_space<semaphore_mem>>
        %dma_start3A_249 = tpu.memref_squeeze %dma_start3A_248 : memref<1x!tpu.dma_semaphore, #tpu.memory_space<semaphore_mem>> -> memref<!tpu.dma_semaphore, #tpu.memory_space<semaphore_mem>>
        %dma_start3A_250 = arith.constant 0 : i32
        %dma_start3A_251 = tpu.memref_slice %arg4[%mul3A_239, %dma_start3A_250] : memref<200000x256xf32, #tpu.memory_space<hbm>> -> memref<80x256xf32, #tpu.memory_space<hbm>>
        %dma_start3A_252 = arith.constant 0 : i32
        %dma_start3A_253 = arith.constant 0 : i32
        %dma_start3A_254 = tpu.memref_slice %arg6[%dma_start3A_240, %dma_start3A_252, %dma_start3A_253] : memref<5x80x256xf32, #tpu.memory_space<vmem>> -> memref<1x80x256xf32, #tpu.memory_space<vmem>>
        %dma_start3A_255 = tpu.memref_squeeze %dma_start3A_254 : memref<1x80x256xf32, #tpu.memory_space<vmem>> -> memref<80x256xf32, #tpu.memory_space<vmem>>
        tpu.enqueue_dma source(%dma_start3A_255 : memref<80x256xf32, #tpu.memory_space<vmem>>) target(%dma_start3A_251 : memref<80x256xf32, #tpu.memory_space<hbm>>) target_semaphore(%dma_start3A_249 : memref<!tpu.dma_semaphore, #tpu.memory_space<semaphore_mem>>)
      } else {
      }
      %sub3A_112 = arith.constant 2 : i32
      %sub3A_113 = arith.subi %add3A_108, %sub3A_112 : i32
      %add3A_114 = arith.constant 5 : i32
      %add3A_115 = arith.addi %sub3A_113, %add3A_114 : i32
      %ge3A = arith.constant 0 : i32
      %ge3A_116 = arith.cmpi sge, %sub3A_113, %ge3A : i32
      %lt3A_117 = arith.cmpi slt, %sub3A_113, %add3A_4 : i32
      %and3A = arith.andi %ge3A_116, %lt3A_117 : i1
      %convert_element_type3A_118 = arith.extui %and3A : i1 to i32
      %cond3A_119 = arith.constant 0 : i32
      %cond3A_120 = arith.cmpi ne, %convert_element_type3A_118, %cond3A_119 : i32
      scf.if %cond3A_120 {
        %add3A_224 = arith.addi %add3A_8, %sub3A_113 : i32
        %mul3A_225 = arith.constant 80 : i32
        %mul3A_226 = arith.muli %add3A_224, %mul3A_225 : i32
        %dma_wait3A = arith.constant 3 : i32
        %dma_wait3A_227 = arith.constant 3 : i32
        %dma_wait3A_228 = arith.constant 0 : i32
        %dma_wait3A_229 = arith.constant 0 : i32
        %dma_wait3A_230 = tpu.memref_slice %arg6[%dma_wait3A, %dma_wait3A_228, %dma_wait3A_229] : memref<5x80x256xf32, #tpu.memory_space<vmem>> -> memref<1x80x256xf32, #tpu.memory_space<vmem>>
        %dma_wait3A_231 = tpu.memref_squeeze %dma_wait3A_230 : memref<1x80x256xf32, #tpu.memory_space<vmem>> -> memref<80x256xf32, #tpu.memory_space<vmem>>
        %dma_wait3A_232 = arith.constant 0 : i32
        %dma_wait3A_233 = tpu.memref_slice %arg4[%mul3A_226, %dma_wait3A_232] : memref<200000x256xf32, #tpu.memory_space<hbm>> -> memref<80x256xf32, #tpu.memory_space<hbm>>
        %dma_wait3A_234 = tpu.memref_slice %arg8[%dma_wait3A_227] : memref<5x!tpu.dma_semaphore, #tpu.memory_space<semaphore_mem>> -> memref<1x!tpu.dma_semaphore, #tpu.memory_space<semaphore_mem>>
        %dma_wait3A_235 = tpu.memref_squeeze %dma_wait3A_234 : memref<1x!tpu.dma_semaphore, #tpu.memory_space<semaphore_mem>> -> memref<!tpu.dma_semaphore, #tpu.memory_space<semaphore_mem>>
        %dma_wait3A_236 = arith.constant 0 : i32
        %dma_wait3A_237 = tpu.memref_slice %arg4[%mul3A_226, %dma_wait3A_236] : memref<200000x256xf32, #tpu.memory_space<hbm>> -> memref<80x256xf32, #tpu.memory_space<hbm>>
        %dma_wait3A_238 = arith.constant 0 : i32
        %dma_wait3A_239 = arith.constant 0 : i32
        %dma_wait3A_240 = tpu.memref_slice %arg6[%dma_wait3A, %dma_wait3A_238, %dma_wait3A_239] : memref<5x80x256xf32, #tpu.memory_space<vmem>> -> memref<1x80x256xf32, #tpu.memory_space<vmem>>
        %dma_wait3A_241 = tpu.memref_squeeze %dma_wait3A_240 : memref<1x80x256xf32, #tpu.memory_space<vmem>> -> memref<80x256xf32, #tpu.memory_space<vmem>>
        tpu.wait_dma2 semaphore(%dma_wait3A_235 : memref<!tpu.dma_semaphore, #tpu.memory_space<semaphore_mem>>) src(%dma_wait3A_241 : memref<80x256xf32, #tpu.memory_space<vmem>>) dst(%dma_wait3A_237 : memref<80x256xf32, #tpu.memory_space<hbm>>)
      } else {
      }
      %ge3A_121 = arith.constant 5 : i32
      %ge3A_122 = arith.cmpi sge, %add3A_115, %ge3A_121 : i32
      %lt3A_123 = arith.cmpi slt, %add3A_115, %add3A_4 : i32
      %and3A_124 = arith.andi %ge3A_122, %lt3A_123 : i1
      %convert_element_type3A_125 = arith.extui %and3A_124 : i1 to i32
      %cond3A_126 = arith.constant 0 : i32
      %cond3A_127 = arith.cmpi ne, %convert_element_type3A_125, %cond3A_126 : i32
      scf.if %cond3A_127 {
        %mul3A_224 = arith.constant 80 : i32
        %mul3A_225 = arith.muli %add3A_115, %mul3A_224 : i32
        %dma_start3A_226 = arith.constant 3 : i32
        %dma_start3A_227 = arith.constant 3 : i32
        %dma_start3A_228 = arith.constant 0 : i32
        %dma_start3A_229 = arith.constant 0 : i32
        %dma_start3A_230 = tpu.memref_slice %arg6[%dma_start3A_226, %dma_start3A_228, %dma_start3A_229] : memref<5x80x256xf32, #tpu.memory_space<vmem>> -> memref<1x80x256xf32, #tpu.memory_space<vmem>>
        %dma_start3A_231 = tpu.memref_squeeze %dma_start3A_230 : memref<1x80x256xf32, #tpu.memory_space<vmem>> -> memref<80x256xf32, #tpu.memory_space<vmem>>
        %dma_start3A_232 = tpu.memref_slice %arg5[%mul3A_225] : memref<6320xi32, #tpu.memory_space<vmem>> -> memref<80xi32, #tpu.memory_space<vmem>>
        %dma_start3A_233 = arith.constant 0 : i32
        %dma_start3A_234 = arith.constant 0 : i32
        %dma_start3A_235 = tpu.memref_slice %arg3[%dma_start3A_233, %dma_start3A_234] : memref<10000x256xf32, #tpu.memory_space<hbm>> -> memref<10000x256xf32, #tpu.memory_space<hbm>>
        %dma_start3A_236 = tpu.memref_slice %arg7[%dma_start3A_227] : memref<5x!tpu.dma_semaphore, #tpu.memory_space<semaphore_mem>> -> memref<1x!tpu.dma_semaphore, #tpu.memory_space<semaphore_mem>>
        %dma_start3A_237 = tpu.memref_squeeze %dma_start3A_236 : memref<1x!tpu.dma_semaphore, #tpu.memory_space<semaphore_mem>> -> memref<!tpu.dma_semaphore, #tpu.memory_space<semaphore_mem>>
        tpu.enqueue_indirect_dma source(%dma_start3A_235 : memref<10000x256xf32, #tpu.memory_space<hbm>>) target(%dma_start3A_231 : memref<80x256xf32, #tpu.memory_space<vmem>>) offsets(%dma_start3A_232 : memref<80xi32, #tpu.memory_space<vmem>>) semaphore(%dma_start3A_237 : memref<!tpu.dma_semaphore, #tpu.memory_space<semaphore_mem>>)
      } else {
      }
      %add3A_128 = arith.constant 1 : i32
      %add3A_129 = arith.addi %mul3A_106, %add3A_128 : i32
      %lt3A_130 = arith.cmpi slt, %add3A_129, %add3A_4 : i32
      %convert_element_type3A_131 = arith.extui %lt3A_130 : i1 to i32
      %cond3A_132 = arith.constant 0 : i32
      %cond3A_133 = arith.cmpi ne, %convert_element_type3A_131, %cond3A_132 : i32
      scf.if %cond3A_133 {
        %mul3A_224 = arith.constant 80 : i32
        %mul3A_225 = arith.muli %add3A_129, %mul3A_224 : i32
        %dma_wait3A = arith.constant 1 : i32
        %dma_wait3A_226 = arith.constant 1 : i32
        %dma_wait3A_227 = arith.constant 0 : i32
        %dma_wait3A_228 = arith.constant 0 : i32
        %dma_wait3A_229 = tpu.memref_slice %arg6[%dma_wait3A, %dma_wait3A_227, %dma_wait3A_228] : memref<5x80x256xf32, #tpu.memory_space<vmem>> -> memref<1x80x256xf32, #tpu.memory_space<vmem>>
        %dma_wait3A_230 = tpu.memref_squeeze %dma_wait3A_229 : memref<1x80x256xf32, #tpu.memory_space<vmem>> -> memref<80x256xf32, #tpu.memory_space<vmem>>
        %dma_wait3A_231 = tpu.memref_slice %arg5[%mul3A_225] : memref<6320xi32, #tpu.memory_space<vmem>> -> memref<80xi32, #tpu.memory_space<vmem>>
        %dma_wait3A_232 = arith.constant 0 : i32
        %dma_wait3A_233 = arith.constant 0 : i32
        %dma_wait3A_234 = tpu.memref_slice %arg3[%dma_wait3A_232, %dma_wait3A_233] : memref<10000x256xf32, #tpu.memory_space<hbm>> -> memref<10000x256xf32, #tpu.memory_space<hbm>>
        %dma_wait3A_235 = tpu.memref_slice %arg7[%dma_wait3A_226] : memref<5x!tpu.dma_semaphore, #tpu.memory_space<semaphore_mem>> -> memref<1x!tpu.dma_semaphore, #tpu.memory_space<semaphore_mem>>
        %dma_wait3A_236 = tpu.memref_squeeze %dma_wait3A_235 : memref<1x!tpu.dma_semaphore, #tpu.memory_space<semaphore_mem>> -> memref<!tpu.dma_semaphore, #tpu.memory_space<semaphore_mem>>
        tpu.wait_indirect_dma semaphore(%dma_wait3A_236 : memref<!tpu.dma_semaphore, #tpu.memory_space<semaphore_mem>>) src(%dma_wait3A_234 : memref<10000x256xf32, #tpu.memory_space<hbm>>) dst(%dma_wait3A_230 : memref<80x256xf32, #tpu.memory_space<vmem>>)
        %add3A_237 = arith.addi %add3A_8, %add3A_129 : i32
        %mul3A_238 = arith.constant 80 : i32
        %mul3A_239 = arith.muli %add3A_237, %mul3A_238 : i32
        %dma_start3A_240 = arith.constant 1 : i32
        %dma_start3A_241 = arith.constant 1 : i32
        %dma_start3A_242 = arith.constant 0 : i32
        %dma_start3A_243 = arith.constant 0 : i32
        %dma_start3A_244 = tpu.memref_slice %arg6[%dma_start3A_240, %dma_start3A_242, %dma_start3A_243] : memref<5x80x256xf32, #tpu.memory_space<vmem>> -> memref<1x80x256xf32, #tpu.memory_space<vmem>>
        %dma_start3A_245 = tpu.memref_squeeze %dma_start3A_244 : memref<1x80x256xf32, #tpu.memory_space<vmem>> -> memref<80x256xf32, #tpu.memory_space<vmem>>
        %dma_start3A_246 = arith.constant 0 : i32
        %dma_start3A_247 = tpu.memref_slice %arg4[%mul3A_239, %dma_start3A_246] : memref<200000x256xf32, #tpu.memory_space<hbm>> -> memref<80x256xf32, #tpu.memory_space<hbm>>
        %dma_start3A_248 = tpu.memref_slice %arg8[%dma_start3A_241] : memref<5x!tpu.dma_semaphore, #tpu.memory_space<semaphore_mem>> -> memref<1x!tpu.dma_semaphore, #tpu.memory_space<semaphore_mem>>
        %dma_start3A_249 = tpu.memref_squeeze %dma_start3A_248 : memref<1x!tpu.dma_semaphore, #tpu.memory_space<semaphore_mem>> -> memref<!tpu.dma_semaphore, #tpu.memory_space<semaphore_mem>>
        %dma_start3A_250 = arith.constant 0 : i32
        %dma_start3A_251 = tpu.memref_slice %arg4[%mul3A_239, %dma_start3A_250] : memref<200000x256xf32, #tpu.memory_space<hbm>> -> memref<80x256xf32, #tpu.memory_space<hbm>>
        %dma_start3A_252 = arith.constant 0 : i32
        %dma_start3A_253 = arith.constant 0 : i32
        %dma_start3A_254 = tpu.memref_slice %arg6[%dma_start3A_240, %dma_start3A_252, %dma_start3A_253] : memref<5x80x256xf32, #tpu.memory_space<vmem>> -> memref<1x80x256xf32, #tpu.memory_space<vmem>>
        %dma_start3A_255 = tpu.memref_squeeze %dma_start3A_254 : memref<1x80x256xf32, #tpu.memory_space<vmem>> -> memref<80x256xf32, #tpu.memory_space<vmem>>
        tpu.enqueue_dma source(%dma_start3A_255 : memref<80x256xf32, #tpu.memory_space<vmem>>) target(%dma_start3A_251 : memref<80x256xf32, #tpu.memory_space<hbm>>) target_semaphore(%dma_start3A_249 : memref<!tpu.dma_semaphore, #tpu.memory_space<semaphore_mem>>)
      } else {
      }
      %sub3A_134 = arith.constant 2 : i32
      %sub3A_135 = arith.subi %add3A_129, %sub3A_134 : i32
      %add3A_136 = arith.constant 5 : i32
      %add3A_137 = arith.addi %sub3A_135, %add3A_136 : i32
      %ge3A_138 = arith.constant 0 : i32
      %ge3A_139 = arith.cmpi sge, %sub3A_135, %ge3A_138 : i32
      %lt3A_140 = arith.cmpi slt, %sub3A_135, %add3A_4 : i32
      %and3A_141 = arith.andi %ge3A_139, %lt3A_140 : i1
      %convert_element_type3A_142 = arith.extui %and3A_141 : i1 to i32
      %cond3A_143 = arith.constant 0 : i32
      %cond3A_144 = arith.cmpi ne, %convert_element_type3A_142, %cond3A_143 : i32
      scf.if %cond3A_144 {
        %add3A_224 = arith.addi %add3A_8, %sub3A_135 : i32
        %mul3A_225 = arith.constant 80 : i32
        %mul3A_226 = arith.muli %add3A_224, %mul3A_225 : i32
        %dma_wait3A = arith.constant 4 : i32
        %dma_wait3A_227 = arith.constant 4 : i32
        %dma_wait3A_228 = arith.constant 0 : i32
        %dma_wait3A_229 = arith.constant 0 : i32
        %dma_wait3A_230 = tpu.memref_slice %arg6[%dma_wait3A, %dma_wait3A_228, %dma_wait3A_229] : memref<5x80x256xf32, #tpu.memory_space<vmem>> -> memref<1x80x256xf32, #tpu.memory_space<vmem>>
        %dma_wait3A_231 = tpu.memref_squeeze %dma_wait3A_230 : memref<1x80x256xf32, #tpu.memory_space<vmem>> -> memref<80x256xf32, #tpu.memory_space<vmem>>
        %dma_wait3A_232 = arith.constant 0 : i32
        %dma_wait3A_233 = tpu.memref_slice %arg4[%mul3A_226, %dma_wait3A_232] : memref<200000x256xf32, #tpu.memory_space<hbm>> -> memref<80x256xf32, #tpu.memory_space<hbm>>
        %dma_wait3A_234 = tpu.memref_slice %arg8[%dma_wait3A_227] : memref<5x!tpu.dma_semaphore, #tpu.memory_space<semaphore_mem>> -> memref<1x!tpu.dma_semaphore, #tpu.memory_space<semaphore_mem>>
        %dma_wait3A_235 = tpu.memref_squeeze %dma_wait3A_234 : memref<1x!tpu.dma_semaphore, #tpu.memory_space<semaphore_mem>> -> memref<!tpu.dma_semaphore, #tpu.memory_space<semaphore_mem>>
        %dma_wait3A_236 = arith.constant 0 : i32
        %dma_wait3A_237 = tpu.memref_slice %arg4[%mul3A_226, %dma_wait3A_236] : memref<200000x256xf32, #tpu.memory_space<hbm>> -> memref<80x256xf32, #tpu.memory_space<hbm>>
        %dma_wait3A_238 = arith.constant 0 : i32
        %dma_wait3A_239 = arith.constant 0 : i32
        %dma_wait3A_240 = tpu.memref_slice %arg6[%dma_wait3A, %dma_wait3A_238, %dma_wait3A_239] : memref<5x80x256xf32, #tpu.memory_space<vmem>> -> memref<1x80x256xf32, #tpu.memory_space<vmem>>
        %dma_wait3A_241 = tpu.memref_squeeze %dma_wait3A_240 : memref<1x80x256xf32, #tpu.memory_space<vmem>> -> memref<80x256xf32, #tpu.memory_space<vmem>>
        tpu.wait_dma2 semaphore(%dma_wait3A_235 : memref<!tpu.dma_semaphore, #tpu.memory_space<semaphore_mem>>) src(%dma_wait3A_241 : memref<80x256xf32, #tpu.memory_space<vmem>>) dst(%dma_wait3A_237 : memref<80x256xf32, #tpu.memory_space<hbm>>)
      } else {
      }
      %ge3A_145 = arith.constant 5 : i32
      %ge3A_146 = arith.cmpi sge, %add3A_137, %ge3A_145 : i32
      %lt3A_147 = arith.cmpi slt, %add3A_137, %add3A_4 : i32
      %and3A_148 = arith.andi %ge3A_146, %lt3A_147 : i1
      %convert_element_type3A_149 = arith.extui %and3A_148 : i1 to i32
      %cond3A_150 = arith.constant 0 : i32
      %cond3A_151 = arith.cmpi ne, %convert_element_type3A_149, %cond3A_150 : i32
      scf.if %cond3A_151 {
        %mul3A_224 = arith.constant 80 : i32
        %mul3A_225 = arith.muli %add3A_137, %mul3A_224 : i32
        %dma_start3A_226 = arith.constant 4 : i32
        %dma_start3A_227 = arith.constant 4 : i32
        %dma_start3A_228 = arith.constant 0 : i32
        %dma_start3A_229 = arith.constant 0 : i32
        %dma_start3A_230 = tpu.memref_slice %arg6[%dma_start3A_226, %dma_start3A_228, %dma_start3A_229] : memref<5x80x256xf32, #tpu.memory_space<vmem>> -> memref<1x80x256xf32, #tpu.memory_space<vmem>>
        %dma_start3A_231 = tpu.memref_squeeze %dma_start3A_230 : memref<1x80x256xf32, #tpu.memory_space<vmem>> -> memref<80x256xf32, #tpu.memory_space<vmem>>
        %dma_start3A_232 = tpu.memref_slice %arg5[%mul3A_225] : memref<6320xi32, #tpu.memory_space<vmem>> -> memref<80xi32, #tpu.memory_space<vmem>>
        %dma_start3A_233 = arith.constant 0 : i32
        %dma_start3A_234 = arith.constant 0 : i32
        %dma_start3A_235 = tpu.memref_slice %arg3[%dma_start3A_233, %dma_start3A_234] : memref<10000x256xf32, #tpu.memory_space<hbm>> -> memref<10000x256xf32, #tpu.memory_space<hbm>>
        %dma_start3A_236 = tpu.memref_slice %arg7[%dma_start3A_227] : memref<5x!tpu.dma_semaphore, #tpu.memory_space<semaphore_mem>> -> memref<1x!tpu.dma_semaphore, #tpu.memory_space<semaphore_mem>>
        %dma_start3A_237 = tpu.memref_squeeze %dma_start3A_236 : memref<1x!tpu.dma_semaphore, #tpu.memory_space<semaphore_mem>> -> memref<!tpu.dma_semaphore, #tpu.memory_space<semaphore_mem>>
        tpu.enqueue_indirect_dma source(%dma_start3A_235 : memref<10000x256xf32, #tpu.memory_space<hbm>>) target(%dma_start3A_231 : memref<80x256xf32, #tpu.memory_space<vmem>>) offsets(%dma_start3A_232 : memref<80xi32, #tpu.memory_space<vmem>>) semaphore(%dma_start3A_237 : memref<!tpu.dma_semaphore, #tpu.memory_space<semaphore_mem>>)
      } else {
      }
      %add3A_152 = arith.constant 2 : i32
      %add3A_153 = arith.addi %mul3A_106, %add3A_152 : i32
      %lt3A_154 = arith.cmpi slt, %add3A_153, %add3A_4 : i32
      %convert_element_type3A_155 = arith.extui %lt3A_154 : i1 to i32
      %cond3A_156 = arith.constant 0 : i32
      %cond3A_157 = arith.cmpi ne, %convert_element_type3A_155, %cond3A_156 : i32
      scf.if %cond3A_157 {
        %mul3A_224 = arith.constant 80 : i32
        %mul3A_225 = arith.muli %add3A_153, %mul3A_224 : i32
        %dma_wait3A = arith.constant 2 : i32
        %dma_wait3A_226 = arith.constant 2 : i32
        %dma_wait3A_227 = arith.constant 0 : i32
        %dma_wait3A_228 = arith.constant 0 : i32
        %dma_wait3A_229 = tpu.memref_slice %arg6[%dma_wait3A, %dma_wait3A_227, %dma_wait3A_228] : memref<5x80x256xf32, #tpu.memory_space<vmem>> -> memref<1x80x256xf32, #tpu.memory_space<vmem>>
        %dma_wait3A_230 = tpu.memref_squeeze %dma_wait3A_229 : memref<1x80x256xf32, #tpu.memory_space<vmem>> -> memref<80x256xf32, #tpu.memory_space<vmem>>
        %dma_wait3A_231 = tpu.memref_slice %arg5[%mul3A_225] : memref<6320xi32, #tpu.memory_space<vmem>> -> memref<80xi32, #tpu.memory_space<vmem>>
        %dma_wait3A_232 = arith.constant 0 : i32
        %dma_wait3A_233 = arith.constant 0 : i32
        %dma_wait3A_234 = tpu.memref_slice %arg3[%dma_wait3A_232, %dma_wait3A_233] : memref<10000x256xf32, #tpu.memory_space<hbm>> -> memref<10000x256xf32, #tpu.memory_space<hbm>>
        %dma_wait3A_235 = tpu.memref_slice %arg7[%dma_wait3A_226] : memref<5x!tpu.dma_semaphore, #tpu.memory_space<semaphore_mem>> -> memref<1x!tpu.dma_semaphore, #tpu.memory_space<semaphore_mem>>
        %dma_wait3A_236 = tpu.memref_squeeze %dma_wait3A_235 : memref<1x!tpu.dma_semaphore, #tpu.memory_space<semaphore_mem>> -> memref<!tpu.dma_semaphore, #tpu.memory_space<semaphore_mem>>
        tpu.wait_indirect_dma semaphore(%dma_wait3A_236 : memref<!tpu.dma_semaphore, #tpu.memory_space<semaphore_mem>>) src(%dma_wait3A_234 : memref<10000x256xf32, #tpu.memory_space<hbm>>) dst(%dma_wait3A_230 : memref<80x256xf32, #tpu.memory_space<vmem>>)
        %add3A_237 = arith.addi %add3A_8, %add3A_153 : i32
        %mul3A_238 = arith.constant 80 : i32
        %mul3A_239 = arith.muli %add3A_237, %mul3A_238 : i32
        %dma_start3A_240 = arith.constant 2 : i32
        %dma_start3A_241 = arith.constant 2 : i32
        %dma_start3A_242 = arith.constant 0 : i32
        %dma_start3A_243 = arith.constant 0 : i32
        %dma_start3A_244 = tpu.memref_slice %arg6[%dma_start3A_240, %dma_start3A_242, %dma_start3A_243] : memref<5x80x256xf32, #tpu.memory_space<vmem>> -> memref<1x80x256xf32, #tpu.memory_space<vmem>>
        %dma_start3A_245 = tpu.memref_squeeze %dma_start3A_244 : memref<1x80x256xf32, #tpu.memory_space<vmem>> -> memref<80x256xf32, #tpu.memory_space<vmem>>
        %dma_start3A_246 = arith.constant 0 : i32
        %dma_start3A_247 = tpu.memref_slice %arg4[%mul3A_239, %dma_start3A_246] : memref<200000x256xf32, #tpu.memory_space<hbm>> -> memref<80x256xf32, #tpu.memory_space<hbm>>
        %dma_start3A_248 = tpu.memref_slice %arg8[%dma_start3A_241] : memref<5x!tpu.dma_semaphore, #tpu.memory_space<semaphore_mem>> -> memref<1x!tpu.dma_semaphore, #tpu.memory_space<semaphore_mem>>
        %dma_start3A_249 = tpu.memref_squeeze %dma_start3A_248 : memref<1x!tpu.dma_semaphore, #tpu.memory_space<semaphore_mem>> -> memref<!tpu.dma_semaphore, #tpu.memory_space<semaphore_mem>>
        %dma_start3A_250 = arith.constant 0 : i32
        %dma_start3A_251 = tpu.memref_slice %arg4[%mul3A_239, %dma_start3A_250] : memref<200000x256xf32, #tpu.memory_space<hbm>> -> memref<80x256xf32, #tpu.memory_space<hbm>>
        %dma_start3A_252 = arith.constant 0 : i32
        %dma_start3A_253 = arith.constant 0 : i32
        %dma_start3A_254 = tpu.memref_slice %arg6[%dma_start3A_240, %dma_start3A_252, %dma_start3A_253] : memref<5x80x256xf32, #tpu.memory_space<vmem>> -> memref<1x80x256xf32, #tpu.memory_space<vmem>>
        %dma_start3A_255 = tpu.memref_squeeze %dma_start3A_254 : memref<1x80x256xf32, #tpu.memory_space<vmem>> -> memref<80x256xf32, #tpu.memory_space<vmem>>
        tpu.enqueue_dma source(%dma_start3A_255 : memref<80x256xf32, #tpu.memory_space<vmem>>) target(%dma_start3A_251 : memref<80x256xf32, #tpu.memory_space<hbm>>) target_semaphore(%dma_start3A_249 : memref<!tpu.dma_semaphore, #tpu.memory_space<semaphore_mem>>)
      } else {
      }
      %sub3A_158 = arith.constant 2 : i32
      %sub3A_159 = arith.subi %add3A_153, %sub3A_158 : i32
      %add3A_160 = arith.constant 5 : i32
      %add3A_161 = arith.addi %sub3A_159, %add3A_160 : i32
      %ge3A_162 = arith.constant 0 : i32
      %ge3A_163 = arith.cmpi sge, %sub3A_159, %ge3A_162 : i32
      %lt3A_164 = arith.cmpi slt, %sub3A_159, %add3A_4 : i32
      %and3A_165 = arith.andi %ge3A_163, %lt3A_164 : i1
      %convert_element_type3A_166 = arith.extui %and3A_165 : i1 to i32
      %cond3A_167 = arith.constant 0 : i32
      %cond3A_168 = arith.cmpi ne, %convert_element_type3A_166, %cond3A_167 : i32
      scf.if %cond3A_168 {
        %add3A_224 = arith.addi %add3A_8, %sub3A_159 : i32
        %mul3A_225 = arith.constant 80 : i32
        %mul3A_226 = arith.muli %add3A_224, %mul3A_225 : i32
        %dma_wait3A = arith.constant 0 : i32
        %dma_wait3A_227 = arith.constant 0 : i32
        %dma_wait3A_228 = arith.constant 0 : i32
        %dma_wait3A_229 = arith.constant 0 : i32
        %dma_wait3A_230 = tpu.memref_slice %arg6[%dma_wait3A, %dma_wait3A_228, %dma_wait3A_229] : memref<5x80x256xf32, #tpu.memory_space<vmem>> -> memref<1x80x256xf32, #tpu.memory_space<vmem>>
        %dma_wait3A_231 = tpu.memref_squeeze %dma_wait3A_230 : memref<1x80x256xf32, #tpu.memory_space<vmem>> -> memref<80x256xf32, #tpu.memory_space<vmem>>
        %dma_wait3A_232 = arith.constant 0 : i32
        %dma_wait3A_233 = tpu.memref_slice %arg4[%mul3A_226, %dma_wait3A_232] : memref<200000x256xf32, #tpu.memory_space<hbm>> -> memref<80x256xf32, #tpu.memory_space<hbm>>
        %dma_wait3A_234 = tpu.memref_slice %arg8[%dma_wait3A_227] : memref<5x!tpu.dma_semaphore, #tpu.memory_space<semaphore_mem>> -> memref<1x!tpu.dma_semaphore, #tpu.memory_space<semaphore_mem>>
        %dma_wait3A_235 = tpu.memref_squeeze %dma_wait3A_234 : memref<1x!tpu.dma_semaphore, #tpu.memory_space<semaphore_mem>> -> memref<!tpu.dma_semaphore, #tpu.memory_space<semaphore_mem>>
        %dma_wait3A_236 = arith.constant 0 : i32
        %dma_wait3A_237 = tpu.memref_slice %arg4[%mul3A_226, %dma_wait3A_236] : memref<200000x256xf32, #tpu.memory_space<hbm>> -> memref<80x256xf32, #tpu.memory_space<hbm>>
        %dma_wait3A_238 = arith.constant 0 : i32
        %dma_wait3A_239 = arith.constant 0 : i32
        %dma_wait3A_240 = tpu.memref_slice %arg6[%dma_wait3A, %dma_wait3A_238, %dma_wait3A_239] : memref<5x80x256xf32, #tpu.memory_space<vmem>> -> memref<1x80x256xf32, #tpu.memory_space<vmem>>
        %dma_wait3A_241 = tpu.memref_squeeze %dma_wait3A_240 : memref<1x80x256xf32, #tpu.memory_space<vmem>> -> memref<80x256xf32, #tpu.memory_space<vmem>>
        tpu.wait_dma2 semaphore(%dma_wait3A_235 : memref<!tpu.dma_semaphore, #tpu.memory_space<semaphore_mem>>) src(%dma_wait3A_241 : memref<80x256xf32, #tpu.memory_space<vmem>>) dst(%dma_wait3A_237 : memref<80x256xf32, #tpu.memory_space<hbm>>)
      } else {
      }
      %ge3A_169 = arith.constant 5 : i32
      %ge3A_170 = arith.cmpi sge, %add3A_161, %ge3A_169 : i32
      %lt3A_171 = arith.cmpi slt, %add3A_161, %add3A_4 : i32
      %and3A_172 = arith.andi %ge3A_170, %lt3A_171 : i1
      %convert_element_type3A_173 = arith.extui %and3A_172 : i1 to i32
      %cond3A_174 = arith.constant 0 : i32
      %cond3A_175 = arith.cmpi ne, %convert_element_type3A_173, %cond3A_174 : i32
      scf.if %cond3A_175 {
        %mul3A_224 = arith.constant 80 : i32
        %mul3A_225 = arith.muli %add3A_161, %mul3A_224 : i32
        %dma_start3A_226 = arith.constant 0 : i32
        %dma_start3A_227 = arith.constant 0 : i32
        %dma_start3A_228 = arith.constant 0 : i32
        %dma_start3A_229 = arith.constant 0 : i32
        %dma_start3A_230 = tpu.memref_slice %arg6[%dma_start3A_226, %dma_start3A_228, %dma_start3A_229] : memref<5x80x256xf32, #tpu.memory_space<vmem>> -> memref<1x80x256xf32, #tpu.memory_space<vmem>>
        %dma_start3A_231 = tpu.memref_squeeze %dma_start3A_230 : memref<1x80x256xf32, #tpu.memory_space<vmem>> -> memref<80x256xf32, #tpu.memory_space<vmem>>
        %dma_start3A_232 = tpu.memref_slice %arg5[%mul3A_225] : memref<6320xi32, #tpu.memory_space<vmem>> -> memref<80xi32, #tpu.memory_space<vmem>>
        %dma_start3A_233 = arith.constant 0 : i32
        %dma_start3A_234 = arith.constant 0 : i32
        %dma_start3A_235 = tpu.memref_slice %arg3[%dma_start3A_233, %dma_start3A_234] : memref<10000x256xf32, #tpu.memory_space<hbm>> -> memref<10000x256xf32, #tpu.memory_space<hbm>>
        %dma_start3A_236 = tpu.memref_slice %arg7[%dma_start3A_227] : memref<5x!tpu.dma_semaphore, #tpu.memory_space<semaphore_mem>> -> memref<1x!tpu.dma_semaphore, #tpu.memory_space<semaphore_mem>>
        %dma_start3A_237 = tpu.memref_squeeze %dma_start3A_236 : memref<1x!tpu.dma_semaphore, #tpu.memory_space<semaphore_mem>> -> memref<!tpu.dma_semaphore, #tpu.memory_space<semaphore_mem>>
        tpu.enqueue_indirect_dma source(%dma_start3A_235 : memref<10000x256xf32, #tpu.memory_space<hbm>>) target(%dma_start3A_231 : memref<80x256xf32, #tpu.memory_space<vmem>>) offsets(%dma_start3A_232 : memref<80xi32, #tpu.memory_space<vmem>>) semaphore(%dma_start3A_237 : memref<!tpu.dma_semaphore, #tpu.memory_space<semaphore_mem>>)
      } else {
      }
      %add3A_176 = arith.constant 3 : i32
      %add3A_177 = arith.addi %mul3A_106, %add3A_176 : i32
      %lt3A_178 = arith.cmpi slt, %add3A_177, %add3A_4 : i32
      %convert_element_type3A_179 = arith.extui %lt3A_178 : i1 to i32
      %cond3A_180 = arith.constant 0 : i32
      %cond3A_181 = arith.cmpi ne, %convert_element_type3A_179, %cond3A_180 : i32
      scf.if %cond3A_181 {
        %mul3A_224 = arith.constant 80 : i32
        %mul3A_225 = arith.muli %add3A_177, %mul3A_224 : i32
        %dma_wait3A = arith.constant 3 : i32
        %dma_wait3A_226 = arith.constant 3 : i32
        %dma_wait3A_227 = arith.constant 0 : i32
        %dma_wait3A_228 = arith.constant 0 : i32
        %dma_wait3A_229 = tpu.memref_slice %arg6[%dma_wait3A, %dma_wait3A_227, %dma_wait3A_228] : memref<5x80x256xf32, #tpu.memory_space<vmem>> -> memref<1x80x256xf32, #tpu.memory_space<vmem>>
        %dma_wait3A_230 = tpu.memref_squeeze %dma_wait3A_229 : memref<1x80x256xf32, #tpu.memory_space<vmem>> -> memref<80x256xf32, #tpu.memory_space<vmem>>
        %dma_wait3A_231 = tpu.memref_slice %arg5[%mul3A_225] : memref<6320xi32, #tpu.memory_space<vmem>> -> memref<80xi32, #tpu.memory_space<vmem>>
        %dma_wait3A_232 = arith.constant 0 : i32
        %dma_wait3A_233 = arith.constant 0 : i32
        %dma_wait3A_234 = tpu.memref_slice %arg3[%dma_wait3A_232, %dma_wait3A_233] : memref<10000x256xf32, #tpu.memory_space<hbm>> -> memref<10000x256xf32, #tpu.memory_space<hbm>>
        %dma_wait3A_235 = tpu.memref_slice %arg7[%dma_wait3A_226] : memref<5x!tpu.dma_semaphore, #tpu.memory_space<semaphore_mem>> -> memref<1x!tpu.dma_semaphore, #tpu.memory_space<semaphore_mem>>
        %dma_wait3A_236 = tpu.memref_squeeze %dma_wait3A_235 : memref<1x!tpu.dma_semaphore, #tpu.memory_space<semaphore_mem>> -> memref<!tpu.dma_semaphore, #tpu.memory_space<semaphore_mem>>
        tpu.wait_indirect_dma semaphore(%dma_wait3A_236 : memref<!tpu.dma_semaphore, #tpu.memory_space<semaphore_mem>>) src(%dma_wait3A_234 : memref<10000x256xf32, #tpu.memory_space<hbm>>) dst(%dma_wait3A_230 : memref<80x256xf32, #tpu.memory_space<vmem>>)
        %add3A_237 = arith.addi %add3A_8, %add3A_177 : i32
        %mul3A_238 = arith.constant 80 : i32
        %mul3A_239 = arith.muli %add3A_237, %mul3A_238 : i32
        %dma_start3A_240 = arith.constant 3 : i32
        %dma_start3A_241 = arith.constant 3 : i32
        %dma_start3A_242 = arith.constant 0 : i32
        %dma_start3A_243 = arith.constant 0 : i32
        %dma_start3A_244 = tpu.memref_slice %arg6[%dma_start3A_240, %dma_start3A_242, %dma_start3A_243] : memref<5x80x256xf32, #tpu.memory_space<vmem>> -> memref<1x80x256xf32, #tpu.memory_space<vmem>>
        %dma_start3A_245 = tpu.memref_squeeze %dma_start3A_244 : memref<1x80x256xf32, #tpu.memory_space<vmem>> -> memref<80x256xf32, #tpu.memory_space<vmem>>
        %dma_start3A_246 = arith.constant 0 : i32
        %dma_start3A_247 = tpu.memref_slice %arg4[%mul3A_239, %dma_start3A_246] : memref<200000x256xf32, #tpu.memory_space<hbm>> -> memref<80x256xf32, #tpu.memory_space<hbm>>
        %dma_start3A_248 = tpu.memref_slice %arg8[%dma_start3A_241] : memref<5x!tpu.dma_semaphore, #tpu.memory_space<semaphore_mem>> -> memref<1x!tpu.dma_semaphore, #tpu.memory_space<semaphore_mem>>
        %dma_start3A_249 = tpu.memref_squeeze %dma_start3A_248 : memref<1x!tpu.dma_semaphore, #tpu.memory_space<semaphore_mem>> -> memref<!tpu.dma_semaphore, #tpu.memory_space<semaphore_mem>>
        %dma_start3A_250 = arith.constant 0 : i32
        %dma_start3A_251 = tpu.memref_slice %arg4[%mul3A_239, %dma_start3A_250] : memref<200000x256xf32, #tpu.memory_space<hbm>> -> memref<80x256xf32, #tpu.memory_space<hbm>>
        %dma_start3A_252 = arith.constant 0 : i32
        %dma_start3A_253 = arith.constant 0 : i32
        %dma_start3A_254 = tpu.memref_slice %arg6[%dma_start3A_240, %dma_start3A_252, %dma_start3A_253] : memref<5x80x256xf32, #tpu.memory_space<vmem>> -> memref<1x80x256xf32, #tpu.memory_space<vmem>>
        %dma_start3A_255 = tpu.memref_squeeze %dma_start3A_254 : memref<1x80x256xf32, #tpu.memory_space<vmem>> -> memref<80x256xf32, #tpu.memory_space<vmem>>
        tpu.enqueue_dma source(%dma_start3A_255 : memref<80x256xf32, #tpu.memory_space<vmem>>) target(%dma_start3A_251 : memref<80x256xf32, #tpu.memory_space<hbm>>) target_semaphore(%dma_start3A_249 : memref<!tpu.dma_semaphore, #tpu.memory_space<semaphore_mem>>)
      } else {
      }
      %sub3A_182 = arith.constant 2 : i32
      %sub3A_183 = arith.subi %add3A_177, %sub3A_182 : i32
      %add3A_184 = arith.constant 5 : i32
      %add3A_185 = arith.addi %sub3A_183, %add3A_184 : i32
      %ge3A_186 = arith.constant 0 : i32
      %ge3A_187 = arith.cmpi sge, %sub3A_183, %ge3A_186 : i32
      %lt3A_188 = arith.cmpi slt, %sub3A_183, %add3A_4 : i32
      %and3A_189 = arith.andi %ge3A_187, %lt3A_188 : i1
      %convert_element_type3A_190 = arith.extui %and3A_189 : i1 to i32
      %cond3A_191 = arith.constant 0 : i32
      %cond3A_192 = arith.cmpi ne, %convert_element_type3A_190, %cond3A_191 : i32
      scf.if %cond3A_192 {
        %add3A_224 = arith.addi %add3A_8, %sub3A_183 : i32
        %mul3A_225 = arith.constant 80 : i32
        %mul3A_226 = arith.muli %add3A_224, %mul3A_225 : i32
        %dma_wait3A = arith.constant 1 : i32
        %dma_wait3A_227 = arith.constant 1 : i32
        %dma_wait3A_228 = arith.constant 0 : i32
        %dma_wait3A_229 = arith.constant 0 : i32
        %dma_wait3A_230 = tpu.memref_slice %arg6[%dma_wait3A, %dma_wait3A_228, %dma_wait3A_229] : memref<5x80x256xf32, #tpu.memory_space<vmem>> -> memref<1x80x256xf32, #tpu.memory_space<vmem>>
        %dma_wait3A_231 = tpu.memref_squeeze %dma_wait3A_230 : memref<1x80x256xf32, #tpu.memory_space<vmem>> -> memref<80x256xf32, #tpu.memory_space<vmem>>
        %dma_wait3A_232 = arith.constant 0 : i32
        %dma_wait3A_233 = tpu.memref_slice %arg4[%mul3A_226, %dma_wait3A_232] : memref<200000x256xf32, #tpu.memory_space<hbm>> -> memref<80x256xf32, #tpu.memory_space<hbm>>
        %dma_wait3A_234 = tpu.memref_slice %arg8[%dma_wait3A_227] : memref<5x!tpu.dma_semaphore, #tpu.memory_space<semaphore_mem>> -> memref<1x!tpu.dma_semaphore, #tpu.memory_space<semaphore_mem>>
        %dma_wait3A_235 = tpu.memref_squeeze %dma_wait3A_234 : memref<1x!tpu.dma_semaphore, #tpu.memory_space<semaphore_mem>> -> memref<!tpu.dma_semaphore, #tpu.memory_space<semaphore_mem>>
        %dma_wait3A_236 = arith.constant 0 : i32
        %dma_wait3A_237 = tpu.memref_slice %arg4[%mul3A_226, %dma_wait3A_236] : memref<200000x256xf32, #tpu.memory_space<hbm>> -> memref<80x256xf32, #tpu.memory_space<hbm>>
        %dma_wait3A_238 = arith.constant 0 : i32
        %dma_wait3A_239 = arith.constant 0 : i32
        %dma_wait3A_240 = tpu.memref_slice %arg6[%dma_wait3A, %dma_wait3A_238, %dma_wait3A_239] : memref<5x80x256xf32, #tpu.memory_space<vmem>> -> memref<1x80x256xf32, #tpu.memory_space<vmem>>
        %dma_wait3A_241 = tpu.memref_squeeze %dma_wait3A_240 : memref<1x80x256xf32, #tpu.memory_space<vmem>> -> memref<80x256xf32, #tpu.memory_space<vmem>>
        tpu.wait_dma2 semaphore(%dma_wait3A_235 : memref<!tpu.dma_semaphore, #tpu.memory_space<semaphore_mem>>) src(%dma_wait3A_241 : memref<80x256xf32, #tpu.memory_space<vmem>>) dst(%dma_wait3A_237 : memref<80x256xf32, #tpu.memory_space<hbm>>)
      } else {
      }
      %ge3A_193 = arith.constant 5 : i32
      %ge3A_194 = arith.cmpi sge, %add3A_185, %ge3A_193 : i32
      %lt3A_195 = arith.cmpi slt, %add3A_185, %add3A_4 : i32
      %and3A_196 = arith.andi %ge3A_194, %lt3A_195 : i1
      %convert_element_type3A_197 = arith.extui %and3A_196 : i1 to i32
      %cond3A_198 = arith.constant 0 : i32
      %cond3A_199 = arith.cmpi ne, %convert_element_type3A_197, %cond3A_198 : i32
      scf.if %cond3A_199 {
        %mul3A_224 = arith.constant 80 : i32
        %mul3A_225 = arith.muli %add3A_185, %mul3A_224 : i32
        %dma_start3A_226 = arith.constant 1 : i32
        %dma_start3A_227 = arith.constant 1 : i32
        %dma_start3A_228 = arith.constant 0 : i32
        %dma_start3A_229 = arith.constant 0 : i32
        %dma_start3A_230 = tpu.memref_slice %arg6[%dma_start3A_226, %dma_start3A_228, %dma_start3A_229] : memref<5x80x256xf32, #tpu.memory_space<vmem>> -> memref<1x80x256xf32, #tpu.memory_space<vmem>>
        %dma_start3A_231 = tpu.memref_squeeze %dma_start3A_230 : memref<1x80x256xf32, #tpu.memory_space<vmem>> -> memref<80x256xf32, #tpu.memory_space<vmem>>
        %dma_start3A_232 = tpu.memref_slice %arg5[%mul3A_225] : memref<6320xi32, #tpu.memory_space<vmem>> -> memref<80xi32, #tpu.memory_space<vmem>>
        %dma_start3A_233 = arith.constant 0 : i32
        %dma_start3A_234 = arith.constant 0 : i32
        %dma_start3A_235 = tpu.memref_slice %arg3[%dma_start3A_233, %dma_start3A_234] : memref<10000x256xf32, #tpu.memory_space<hbm>> -> memref<10000x256xf32, #tpu.memory_space<hbm>>
        %dma_start3A_236 = tpu.memref_slice %arg7[%dma_start3A_227] : memref<5x!tpu.dma_semaphore, #tpu.memory_space<semaphore_mem>> -> memref<1x!tpu.dma_semaphore, #tpu.memory_space<semaphore_mem>>
        %dma_start3A_237 = tpu.memref_squeeze %dma_start3A_236 : memref<1x!tpu.dma_semaphore, #tpu.memory_space<semaphore_mem>> -> memref<!tpu.dma_semaphore, #tpu.memory_space<semaphore_mem>>
        tpu.enqueue_indirect_dma source(%dma_start3A_235 : memref<10000x256xf32, #tpu.memory_space<hbm>>) target(%dma_start3A_231 : memref<80x256xf32, #tpu.memory_space<vmem>>) offsets(%dma_start3A_232 : memref<80xi32, #tpu.memory_space<vmem>>) semaphore(%dma_start3A_237 : memref<!tpu.dma_semaphore, #tpu.memory_space<semaphore_mem>>)
      } else {
      }
      %add3A_200 = arith.constant 4 : i32
      %add3A_201 = arith.addi %mul3A_106, %add3A_200 : i32
      %lt3A_202 = arith.cmpi slt, %add3A_201, %add3A_4 : i32
      %convert_element_type3A_203 = arith.extui %lt3A_202 : i1 to i32
      %cond3A_204 = arith.constant 0 : i32
      %cond3A_205 = arith.cmpi ne, %convert_element_type3A_203, %cond3A_204 : i32
      scf.if %cond3A_205 {
        %mul3A_224 = arith.constant 80 : i32
        %mul3A_225 = arith.muli %add3A_201, %mul3A_224 : i32
        %dma_wait3A = arith.constant 4 : i32
        %dma_wait3A_226 = arith.constant 4 : i32
        %dma_wait3A_227 = arith.constant 0 : i32
        %dma_wait3A_228 = arith.constant 0 : i32
        %dma_wait3A_229 = tpu.memref_slice %arg6[%dma_wait3A, %dma_wait3A_227, %dma_wait3A_228] : memref<5x80x256xf32, #tpu.memory_space<vmem>> -> memref<1x80x256xf32, #tpu.memory_space<vmem>>
        %dma_wait3A_230 = tpu.memref_squeeze %dma_wait3A_229 : memref<1x80x256xf32, #tpu.memory_space<vmem>> -> memref<80x256xf32, #tpu.memory_space<vmem>>
        %dma_wait3A_231 = tpu.memref_slice %arg5[%mul3A_225] : memref<6320xi32, #tpu.memory_space<vmem>> -> memref<80xi32, #tpu.memory_space<vmem>>
        %dma_wait3A_232 = arith.constant 0 : i32
        %dma_wait3A_233 = arith.constant 0 : i32
        %dma_wait3A_234 = tpu.memref_slice %arg3[%dma_wait3A_232, %dma_wait3A_233] : memref<10000x256xf32, #tpu.memory_space<hbm>> -> memref<10000x256xf32, #tpu.memory_space<hbm>>
        %dma_wait3A_235 = tpu.memref_slice %arg7[%dma_wait3A_226] : memref<5x!tpu.dma_semaphore, #tpu.memory_space<semaphore_mem>> -> memref<1x!tpu.dma_semaphore, #tpu.memory_space<semaphore_mem>>
        %dma_wait3A_236 = tpu.memref_squeeze %dma_wait3A_235 : memref<1x!tpu.dma_semaphore, #tpu.memory_space<semaphore_mem>> -> memref<!tpu.dma_semaphore, #tpu.memory_space<semaphore_mem>>
        tpu.wait_indirect_dma semaphore(%dma_wait3A_236 : memref<!tpu.dma_semaphore, #tpu.memory_space<semaphore_mem>>) src(%dma_wait3A_234 : memref<10000x256xf32, #tpu.memory_space<hbm>>) dst(%dma_wait3A_230 : memref<80x256xf32, #tpu.memory_space<vmem>>)
        %add3A_237 = arith.addi %add3A_8, %add3A_201 : i32
        %mul3A_238 = arith.constant 80 : i32
        %mul3A_239 = arith.muli %add3A_237, %mul3A_238 : i32
        %dma_start3A_240 = arith.constant 4 : i32
        %dma_start3A_241 = arith.constant 4 : i32
        %dma_start3A_242 = arith.constant 0 : i32
        %dma_start3A_243 = arith.constant 0 : i32
        %dma_start3A_244 = tpu.memref_slice %arg6[%dma_start3A_240, %dma_start3A_242, %dma_start3A_243] : memref<5x80x256xf32, #tpu.memory_space<vmem>> -> memref<1x80x256xf32, #tpu.memory_space<vmem>>
        %dma_start3A_245 = tpu.memref_squeeze %dma_start3A_244 : memref<1x80x256xf32, #tpu.memory_space<vmem>> -> memref<80x256xf32, #tpu.memory_space<vmem>>
        %dma_start3A_246 = arith.constant 0 : i32
        %dma_start3A_247 = tpu.memref_slice %arg4[%mul3A_239, %dma_start3A_246] : memref<200000x256xf32, #tpu.memory_space<hbm>> -> memref<80x256xf32, #tpu.memory_space<hbm>>
        %dma_start3A_248 = tpu.memref_slice %arg8[%dma_start3A_241] : memref<5x!tpu.dma_semaphore, #tpu.memory_space<semaphore_mem>> -> memref<1x!tpu.dma_semaphore, #tpu.memory_space<semaphore_mem>>
        %dma_start3A_249 = tpu.memref_squeeze %dma_start3A_248 : memref<1x!tpu.dma_semaphore, #tpu.memory_space<semaphore_mem>> -> memref<!tpu.dma_semaphore, #tpu.memory_space<semaphore_mem>>
        %dma_start3A_250 = arith.constant 0 : i32
        %dma_start3A_251 = tpu.memref_slice %arg4[%mul3A_239, %dma_start3A_250] : memref<200000x256xf32, #tpu.memory_space<hbm>> -> memref<80x256xf32, #tpu.memory_space<hbm>>
        %dma_start3A_252 = arith.constant 0 : i32
        %dma_start3A_253 = arith.constant 0 : i32
        %dma_start3A_254 = tpu.memref_slice %arg6[%dma_start3A_240, %dma_start3A_252, %dma_start3A_253] : memref<5x80x256xf32, #tpu.memory_space<vmem>> -> memref<1x80x256xf32, #tpu.memory_space<vmem>>
        %dma_start3A_255 = tpu.memref_squeeze %dma_start3A_254 : memref<1x80x256xf32, #tpu.memory_space<vmem>> -> memref<80x256xf32, #tpu.memory_space<vmem>>
        tpu.enqueue_dma source(%dma_start3A_255 : memref<80x256xf32, #tpu.memory_space<vmem>>) target(%dma_start3A_251 : memref<80x256xf32, #tpu.memory_space<hbm>>) target_semaphore(%dma_start3A_249 : memref<!tpu.dma_semaphore, #tpu.memory_space<semaphore_mem>>)
      } else {
      }
      %sub3A_206 = arith.constant 2 : i32
      %sub3A_207 = arith.subi %add3A_201, %sub3A_206 : i32
      %add3A_208 = arith.constant 5 : i32
      %add3A_209 = arith.addi %sub3A_207, %add3A_208 : i32
      %ge3A_210 = arith.constant 0 : i32
      %ge3A_211 = arith.cmpi sge, %sub3A_207, %ge3A_210 : i32
      %lt3A_212 = arith.cmpi slt, %sub3A_207, %add3A_4 : i32
      %and3A_213 = arith.andi %ge3A_211, %lt3A_212 : i1
      %convert_element_type3A_214 = arith.extui %and3A_213 : i1 to i32
      %cond3A_215 = arith.constant 0 : i32
      %cond3A_216 = arith.cmpi ne, %convert_element_type3A_214, %cond3A_215 : i32
      scf.if %cond3A_216 {
        %add3A_224 = arith.addi %add3A_8, %sub3A_207 : i32
        %mul3A_225 = arith.constant 80 : i32
        %mul3A_226 = arith.muli %add3A_224, %mul3A_225 : i32
        %dma_wait3A = arith.constant 2 : i32
        %dma_wait3A_227 = arith.constant 2 : i32
        %dma_wait3A_228 = arith.constant 0 : i32
        %dma_wait3A_229 = arith.constant 0 : i32
        %dma_wait3A_230 = tpu.memref_slice %arg6[%dma_wait3A, %dma_wait3A_228, %dma_wait3A_229] : memref<5x80x256xf32, #tpu.memory_space<vmem>> -> memref<1x80x256xf32, #tpu.memory_space<vmem>>
        %dma_wait3A_231 = tpu.memref_squeeze %dma_wait3A_230 : memref<1x80x256xf32, #tpu.memory_space<vmem>> -> memref<80x256xf32, #tpu.memory_space<vmem>>
        %dma_wait3A_232 = arith.constant 0 : i32
        %dma_wait3A_233 = tpu.memref_slice %arg4[%mul3A_226, %dma_wait3A_232] : memref<200000x256xf32, #tpu.memory_space<hbm>> -> memref<80x256xf32, #tpu.memory_space<hbm>>
        %dma_wait3A_234 = tpu.memref_slice %arg8[%dma_wait3A_227] : memref<5x!tpu.dma_semaphore, #tpu.memory_space<semaphore_mem>> -> memref<1x!tpu.dma_semaphore, #tpu.memory_space<semaphore_mem>>
        %dma_wait3A_235 = tpu.memref_squeeze %dma_wait3A_234 : memref<1x!tpu.dma_semaphore, #tpu.memory_space<semaphore_mem>> -> memref<!tpu.dma_semaphore, #tpu.memory_space<semaphore_mem>>
        %dma_wait3A_236 = arith.constant 0 : i32
        %dma_wait3A_237 = tpu.memref_slice %arg4[%mul3A_226, %dma_wait3A_236] : memref<200000x256xf32, #tpu.memory_space<hbm>> -> memref<80x256xf32, #tpu.memory_space<hbm>>
        %dma_wait3A_238 = arith.constant 0 : i32
        %dma_wait3A_239 = arith.constant 0 : i32
        %dma_wait3A_240 = tpu.memref_slice %arg6[%dma_wait3A, %dma_wait3A_238, %dma_wait3A_239] : memref<5x80x256xf32, #tpu.memory_space<vmem>> -> memref<1x80x256xf32, #tpu.memory_space<vmem>>
        %dma_wait3A_241 = tpu.memref_squeeze %dma_wait3A_240 : memref<1x80x256xf32, #tpu.memory_space<vmem>> -> memref<80x256xf32, #tpu.memory_space<vmem>>
        tpu.wait_dma2 semaphore(%dma_wait3A_235 : memref<!tpu.dma_semaphore, #tpu.memory_space<semaphore_mem>>) src(%dma_wait3A_241 : memref<80x256xf32, #tpu.memory_space<vmem>>) dst(%dma_wait3A_237 : memref<80x256xf32, #tpu.memory_space<hbm>>)
      } else {
      }
      %ge3A_217 = arith.constant 5 : i32
      %ge3A_218 = arith.cmpi sge, %add3A_209, %ge3A_217 : i32
      %lt3A_219 = arith.cmpi slt, %add3A_209, %add3A_4 : i32
      %and3A_220 = arith.andi %ge3A_218, %lt3A_219 : i1
      %convert_element_type3A_221 = arith.extui %and3A_220 : i1 to i32
      %cond3A_222 = arith.constant 0 : i32
      %cond3A_223 = arith.cmpi ne, %convert_element_type3A_221, %cond3A_222 : i32
      scf.if %cond3A_223 {
        %mul3A_224 = arith.constant 80 : i32
        %mul3A_225 = arith.muli %add3A_209, %mul3A_224 : i32
        %dma_start3A_226 = arith.constant 2 : i32
        %dma_start3A_227 = arith.constant 2 : i32
        %dma_start3A_228 = arith.constant 0 : i32
        %dma_start3A_229 = arith.constant 0 : i32
        %dma_start3A_230 = tpu.memref_slice %arg6[%dma_start3A_226, %dma_start3A_228, %dma_start3A_229] : memref<5x80x256xf32, #tpu.memory_space<vmem>> -> memref<1x80x256xf32, #tpu.memory_space<vmem>>
        %dma_start3A_231 = tpu.memref_squeeze %dma_start3A_230 : memref<1x80x256xf32, #tpu.memory_space<vmem>> -> memref<80x256xf32, #tpu.memory_space<vmem>>
        %dma_start3A_232 = tpu.memref_slice %arg5[%mul3A_225] : memref<6320xi32, #tpu.memory_space<vmem>> -> memref<80xi32, #tpu.memory_space<vmem>>
        %dma_start3A_233 = arith.constant 0 : i32
        %dma_start3A_234 = arith.constant 0 : i32
        %dma_start3A_235 = tpu.memref_slice %arg3[%dma_start3A_233, %dma_start3A_234] : memref<10000x256xf32, #tpu.memory_space<hbm>> -> memref<10000x256xf32, #tpu.memory_space<hbm>>
        %dma_start3A_236 = tpu.memref_slice %arg7[%dma_start3A_227] : memref<5x!tpu.dma_semaphore, #tpu.memory_space<semaphore_mem>> -> memref<1x!tpu.dma_semaphore, #tpu.memory_space<semaphore_mem>>
        %dma_start3A_237 = tpu.memref_squeeze %dma_start3A_236 : memref<1x!tpu.dma_semaphore, #tpu.memory_space<semaphore_mem>> -> memref<!tpu.dma_semaphore, #tpu.memory_space<semaphore_mem>>
        tpu.enqueue_indirect_dma source(%dma_start3A_235 : memref<10000x256xf32, #tpu.memory_space<hbm>>) target(%dma_start3A_231 : memref<80x256xf32, #tpu.memory_space<vmem>>) offsets(%dma_start3A_232 : memref<80xi32, #tpu.memory_space<vmem>>) semaphore(%dma_start3A_237 : memref<!tpu.dma_semaphore, #tpu.memory_space<semaphore_mem>>)
      } else {
      }
    }
    %while3A_101 = arith.constant 1 : i32
    scf.for %while3A_102 = %while3A_99 to %while3A_95 step %while3A_101  : i32 {
      %mul3A_103 = arith.muli %while3A_102, %while3A : i32
      %add3A_104 = arith.addi %while3A_92, %mul3A_103 : i32
      %mul3A_105 = arith.constant 5 : i32
      %mul3A_106 = arith.muli %add3A_104, %mul3A_105 : i32
      %add3A_107 = arith.constant 0 : i32
      %add3A_108 = arith.addi %mul3A_106, %add3A_107 : i32
      %lt3A_109 = arith.cmpi slt, %add3A_108, %add3A_4 : i32
      %convert_element_type3A_110 = arith.extui %lt3A_109 : i1 to i32
      %cond3A = arith.constant 0 : i32
      %cond3A_111 = arith.cmpi ne, %convert_element_type3A_110, %cond3A : i32
      scf.if %cond3A_111 {
        %mul3A_224 = arith.constant 80 : i32
        %mul3A_225 = arith.muli %add3A_108, %mul3A_224 : i32
        %dma_wait3A = arith.constant 0 : i32
        %dma_wait3A_226 = arith.constant 0 : i32
        %dma_wait3A_227 = arith.constant 0 : i32
        %dma_wait3A_228 = arith.constant 0 : i32
        %dma_wait3A_229 = tpu.memref_slice %arg6[%dma_wait3A, %dma_wait3A_227, %dma_wait3A_228] : memref<5x80x256xf32, #tpu.memory_space<vmem>> -> memref<1x80x256xf32, #tpu.memory_space<vmem>>
        %dma_wait3A_230 = tpu.memref_squeeze %dma_wait3A_229 : memref<1x80x256xf32, #tpu.memory_space<vmem>> -> memref<80x256xf32, #tpu.memory_space<vmem>>
        %dma_wait3A_231 = tpu.memref_slice %arg5[%mul3A_225] : memref<6320xi32, #tpu.memory_space<vmem>> -> memref<80xi32, #tpu.memory_space<vmem>>
        %dma_wait3A_232 = arith.constant 0 : i32
        %dma_wait3A_233 = arith.constant 0 : i32
        %dma_wait3A_234 = tpu.memref_slice %arg3[%dma_wait3A_232, %dma_wait3A_233] : memref<10000x256xf32, #tpu.memory_space<hbm>> -> memref<10000x256xf32, #tpu.memory_space<hbm>>
        %dma_wait3A_235 = tpu.memref_slice %arg7[%dma_wait3A_226] : memref<5x!tpu.dma_semaphore, #tpu.memory_space<semaphore_mem>> -> memref<1x!tpu.dma_semaphore, #tpu.memory_space<semaphore_mem>>
        %dma_wait3A_236 = tpu.memref_squeeze %dma_wait3A_235 : memref<1x!tpu.dma_semaphore, #tpu.memory_space<semaphore_mem>> -> memref<!tpu.dma_semaphore, #tpu.memory_space<semaphore_mem>>
        tpu.wait_indirect_dma semaphore(%dma_wait3A_236 : memref<!tpu.dma_semaphore, #tpu.memory_space<semaphore_mem>>) src(%dma_wait3A_234 : memref<10000x256xf32, #tpu.memory_space<hbm>>) dst(%dma_wait3A_230 : memref<80x256xf32, #tpu.memory_space<vmem>>)
        %add3A_237 = arith.addi %add3A_8, %add3A_108 : i32
        %mul3A_238 = arith.constant 80 : i32
        %mul3A_239 = arith.muli %add3A_237, %mul3A_238 : i32
        %dma_start3A_240 = arith.constant 0 : i32
        %dma_start3A_241 = arith.constant 0 : i32
        %dma_start3A_242 = arith.constant 0 : i32
        %dma_start3A_243 = arith.constant 0 : i32
        %dma_start3A_244 = tpu.memref_slice %arg6[%dma_start3A_240, %dma_start3A_242, %dma_start3A_243] : memref<5x80x256xf32, #tpu.memory_space<vmem>> -> memref<1x80x256xf32, #tpu.memory_space<vmem>>
        %dma_start3A_245 = tpu.memref_squeeze %dma_start3A_244 : memref<1x80x256xf32, #tpu.memory_space<vmem>> -> memref<80x256xf32, #tpu.memory_space<vmem>>
        %dma_start3A_246 = arith.constant 0 : i32
        %dma_start3A_247 = tpu.memref_slice %arg4[%mul3A_239, %dma_start3A_246] : memref<200000x256xf32, #tpu.memory_space<hbm>> -> memref<80x256xf32, #tpu.memory_space<hbm>>
        %dma_start3A_248 = tpu.memref_slice %arg8[%dma_start3A_241] : memref<5x!tpu.dma_semaphore, #tpu.memory_space<semaphore_mem>> -> memref<1x!tpu.dma_semaphore, #tpu.memory_space<semaphore_mem>>
        %dma_start3A_249 = tpu.memref_squeeze %dma_start3A_248 : memref<1x!tpu.dma_semaphore, #tpu.memory_space<semaphore_mem>> -> memref<!tpu.dma_semaphore, #tpu.memory_space<semaphore_mem>>
        %dma_start3A_250 = arith.constant 0 : i32
        %dma_start3A_251 = tpu.memref_slice %arg4[%mul3A_239, %dma_start3A_250] : memref<200000x256xf32, #tpu.memory_space<hbm>> -> memref<80x256xf32, #tpu.memory_space<hbm>>
        %dma_start3A_252 = arith.constant 0 : i32
        %dma_start3A_253 = arith.constant 0 : i32
        %dma_start3A_254 = tpu.memref_slice %arg6[%dma_start3A_240, %dma_start3A_252, %dma_start3A_253] : memref<5x80x256xf32, #tpu.memory_space<vmem>> -> memref<1x80x256xf32, #tpu.memory_space<vmem>>
        %dma_start3A_255 = tpu.memref_squeeze %dma_start3A_254 : memref<1x80x256xf32, #tpu.memory_space<vmem>> -> memref<80x256xf32, #tpu.memory_space<vmem>>
        tpu.enqueue_dma source(%dma_start3A_255 : memref<80x256xf32, #tpu.memory_space<vmem>>) target(%dma_start3A_251 : memref<80x256xf32, #tpu.memory_space<hbm>>) target_semaphore(%dma_start3A_249 : memref<!tpu.dma_semaphore, #tpu.memory_space<semaphore_mem>>)
      } else {
      }
      %sub3A_112 = arith.constant 2 : i32
      %sub3A_113 = arith.subi %add3A_108, %sub3A_112 : i32
      %add3A_114 = arith.constant 5 : i32
      %add3A_115 = arith.addi %sub3A_113, %add3A_114 : i32
      %ge3A = arith.constant 0 : i32
      %ge3A_116 = arith.cmpi sge, %sub3A_113, %ge3A : i32
      %lt3A_117 = arith.cmpi slt, %sub3A_113, %add3A_4 : i32
      %and3A = arith.andi %ge3A_116, %lt3A_117 : i1
      %convert_element_type3A_118 = arith.extui %and3A : i1 to i32
      %cond3A_119 = arith.constant 0 : i32
      %cond3A_120 = arith.cmpi ne, %convert_element_type3A_118, %cond3A_119 : i32
      scf.if %cond3A_120 {
        %add3A_224 = arith.addi %add3A_8, %sub3A_113 : i32
        %mul3A_225 = arith.constant 80 : i32
        %mul3A_226 = arith.muli %add3A_224, %mul3A_225 : i32
        %dma_wait3A = arith.constant 3 : i32
        %dma_wait3A_227 = arith.constant 3 : i32
        %dma_wait3A_228 = arith.constant 0 : i32
        %dma_wait3A_229 = arith.constant 0 : i32
        %dma_wait3A_230 = tpu.memref_slice %arg6[%dma_wait3A, %dma_wait3A_228, %dma_wait3A_229] : memref<5x80x256xf32, #tpu.memory_space<vmem>> -> memref<1x80x256xf32, #tpu.memory_space<vmem>>
        %dma_wait3A_231 = tpu.memref_squeeze %dma_wait3A_230 : memref<1x80x256xf32, #tpu.memory_space<vmem>> -> memref<80x256xf32, #tpu.memory_space<vmem>>
        %dma_wait3A_232 = arith.constant 0 : i32
        %dma_wait3A_233 = tpu.memref_slice %arg4[%mul3A_226, %dma_wait3A_232] : memref<200000x256xf32, #tpu.memory_space<hbm>> -> memref<80x256xf32, #tpu.memory_space<hbm>>
        %dma_wait3A_234 = tpu.memref_slice %arg8[%dma_wait3A_227] : memref<5x!tpu.dma_semaphore, #tpu.memory_space<semaphore_mem>> -> memref<1x!tpu.dma_semaphore, #tpu.memory_space<semaphore_mem>>
        %dma_wait3A_235 = tpu.memref_squeeze %dma_wait3A_234 : memref<1x!tpu.dma_semaphore, #tpu.memory_space<semaphore_mem>> -> memref<!tpu.dma_semaphore, #tpu.memory_space<semaphore_mem>>
        %dma_wait3A_236 = arith.constant 0 : i32
        %dma_wait3A_237 = tpu.memref_slice %arg4[%mul3A_226, %dma_wait3A_236] : memref<200000x256xf32, #tpu.memory_space<hbm>> -> memref<80x256xf32, #tpu.memory_space<hbm>>
        %dma_wait3A_238 = arith.constant 0 : i32
        %dma_wait3A_239 = arith.constant 0 : i32
        %dma_wait3A_240 = tpu.memref_slice %arg6[%dma_wait3A, %dma_wait3A_238, %dma_wait3A_239] : memref<5x80x256xf32, #tpu.memory_space<vmem>> -> memref<1x80x256xf32, #tpu.memory_space<vmem>>
        %dma_wait3A_241 = tpu.memref_squeeze %dma_wait3A_240 : memref<1x80x256xf32, #tpu.memory_space<vmem>> -> memref<80x256xf32, #tpu.memory_space<vmem>>
        tpu.wait_dma2 semaphore(%dma_wait3A_235 : memref<!tpu.dma_semaphore, #tpu.memory_space<semaphore_mem>>) src(%dma_wait3A_241 : memref<80x256xf32, #tpu.memory_space<vmem>>) dst(%dma_wait3A_237 : memref<80x256xf32, #tpu.memory_space<hbm>>)
      } else {
      }
      %ge3A_121 = arith.constant 5 : i32
      %ge3A_122 = arith.cmpi sge, %add3A_115, %ge3A_121 : i32
      %lt3A_123 = arith.cmpi slt, %add3A_115, %add3A_4 : i32
      %and3A_124 = arith.andi %ge3A_122, %lt3A_123 : i1
      %convert_element_type3A_125 = arith.extui %and3A_124 : i1 to i32
      %cond3A_126 = arith.constant 0 : i32
      %cond3A_127 = arith.cmpi ne, %convert_element_type3A_125, %cond3A_126 : i32
      scf.if %cond3A_127 {
        %mul3A_224 = arith.constant 80 : i32
        %mul3A_225 = arith.muli %add3A_115, %mul3A_224 : i32
        %dma_start3A_226 = arith.constant 3 : i32
        %dma_start3A_227 = arith.constant 3 : i32
        %dma_start3A_228 = arith.constant 0 : i32
        %dma_start3A_229 = arith.constant 0 : i32
        %dma_start3A_230 = tpu.memref_slice %arg6[%dma_start3A_226, %dma_start3A_228, %dma_start3A_229] : memref<5x80x256xf32, #tpu.memory_space<vmem>> -> memref<1x80x256xf32, #tpu.memory_space<vmem>>
        %dma_start3A_231 = tpu.memref_squeeze %dma_start3A_230 : memref<1x80x256xf32, #tpu.memory_space<vmem>> -> memref<80x256xf32, #tpu.memory_space<vmem>>
        %dma_start3A_232 = tpu.memref_slice %arg5[%mul3A_225] : memref<6320xi32, #tpu.memory_space<vmem>> -> memref<80xi32, #tpu.memory_space<vmem>>
        %dma_start3A_233 = arith.constant 0 : i32
        %dma_start3A_234 = arith.constant 0 : i32
        %dma_start3A_235 = tpu.memref_slice %arg3[%dma_start3A_233, %dma_start3A_234] : memref<10000x256xf32, #tpu.memory_space<hbm>> -> memref<10000x256xf32, #tpu.memory_space<hbm>>
        %dma_start3A_236 = tpu.memref_slice %arg7[%dma_start3A_227] : memref<5x!tpu.dma_semaphore, #tpu.memory_space<semaphore_mem>> -> memref<1x!tpu.dma_semaphore, #tpu.memory_space<semaphore_mem>>
        %dma_start3A_237 = tpu.memref_squeeze %dma_start3A_236 : memref<1x!tpu.dma_semaphore, #tpu.memory_space<semaphore_mem>> -> memref<!tpu.dma_semaphore, #tpu.memory_space<semaphore_mem>>
        tpu.enqueue_indirect_dma source(%dma_start3A_235 : memref<10000x256xf32, #tpu.memory_space<hbm>>) target(%dma_start3A_231 : memref<80x256xf32, #tpu.memory_space<vmem>>) offsets(%dma_start3A_232 : memref<80xi32, #tpu.memory_space<vmem>>) semaphore(%dma_start3A_237 : memref<!tpu.dma_semaphore, #tpu.memory_space<semaphore_mem>>)
      } else {
      }
      %add3A_128 = arith.constant 1 : i32
      %add3A_129 = arith.addi %mul3A_106, %add3A_128 : i32
      %lt3A_130 = arith.cmpi slt, %add3A_129, %add3A_4 : i32
      %convert_element_type3A_131 = arith.extui %lt3A_130 : i1 to i32
      %cond3A_132 = arith.constant 0 : i32
      %cond3A_133 = arith.cmpi ne, %convert_element_type3A_131, %cond3A_132 : i32
      scf.if %cond3A_133 {
        %mul3A_224 = arith.constant 80 : i32
        %mul3A_225 = arith.muli %add3A_129, %mul3A_224 : i32
        %dma_wait3A = arith.constant 1 : i32
        %dma_wait3A_226 = arith.constant 1 : i32
        %dma_wait3A_227 = arith.constant 0 : i32
        %dma_wait3A_228 = arith.constant 0 : i32
        %dma_wait3A_229 = tpu.memref_slice %arg6[%dma_wait3A, %dma_wait3A_227, %dma_wait3A_228] : memref<5x80x256xf32, #tpu.memory_space<vmem>> -> memref<1x80x256xf32, #tpu.memory_space<vmem>>
        %dma_wait3A_230 = tpu.memref_squeeze %dma_wait3A_229 : memref<1x80x256xf32, #tpu.memory_space<vmem>> -> memref<80x256xf32, #tpu.memory_space<vmem>>
        %dma_wait3A_231 = tpu.memref_slice %arg5[%mul3A_225] : memref<6320xi32, #tpu.memory_space<vmem>> -> memref<80xi32, #tpu.memory_space<vmem>>
        %dma_wait3A_232 = arith.constant 0 : i32
        %dma_wait3A_233 = arith.constant 0 : i32
        %dma_wait3A_234 = tpu.memref_slice %arg3[%dma_wait3A_232, %dma_wait3A_233] : memref<10000x256xf32, #tpu.memory_space<hbm>> -> memref<10000x256xf32, #tpu.memory_space<hbm>>
        %dma_wait3A_235 = tpu.memref_slice %arg7[%dma_wait3A_226] : memref<5x!tpu.dma_semaphore, #tpu.memory_space<semaphore_mem>> -> memref<1x!tpu.dma_semaphore, #tpu.memory_space<semaphore_mem>>
        %dma_wait3A_236 = tpu.memref_squeeze %dma_wait3A_235 : memref<1x!tpu.dma_semaphore, #tpu.memory_space<semaphore_mem>> -> memref<!tpu.dma_semaphore, #tpu.memory_space<semaphore_mem>>
        tpu.wait_indirect_dma semaphore(%dma_wait3A_236 : memref<!tpu.dma_semaphore, #tpu.memory_space<semaphore_mem>>) src(%dma_wait3A_234 : memref<10000x256xf32, #tpu.memory_space<hbm>>) dst(%dma_wait3A_230 : memref<80x256xf32, #tpu.memory_space<vmem>>)
        %add3A_237 = arith.addi %add3A_8, %add3A_129 : i32
        %mul3A_238 = arith.constant 80 : i32
        %mul3A_239 = arith.muli %add3A_237, %mul3A_238 : i32
        %dma_start3A_240 = arith.constant 1 : i32
        %dma_start3A_241 = arith.constant 1 : i32
        %dma_start3A_242 = arith.constant 0 : i32
        %dma_start3A_243 = arith.constant 0 : i32
        %dma_start3A_244 = tpu.memref_slice %arg6[%dma_start3A_240, %dma_start3A_242, %dma_start3A_243] : memref<5x80x256xf32, #tpu.memory_space<vmem>> -> memref<1x80x256xf32, #tpu.memory_space<vmem>>
        %dma_start3A_245 = tpu.memref_squeeze %dma_start3A_244 : memref<1x80x256xf32, #tpu.memory_space<vmem>> -> memref<80x256xf32, #tpu.memory_space<vmem>>
        %dma_start3A_246 = arith.constant 0 : i32
        %dma_start3A_247 = tpu.memref_slice %arg4[%mul3A_239, %dma_start3A_246] : memref<200000x256xf32, #tpu.memory_space<hbm>> -> memref<80x256xf32, #tpu.memory_space<hbm>>
        %dma_start3A_248 = tpu.memref_slice %arg8[%dma_start3A_241] : memref<5x!tpu.dma_semaphore, #tpu.memory_space<semaphore_mem>> -> memref<1x!tpu.dma_semaphore, #tpu.memory_space<semaphore_mem>>
        %dma_start3A_249 = tpu.memref_squeeze %dma_start3A_248 : memref<1x!tpu.dma_semaphore, #tpu.memory_space<semaphore_mem>> -> memref<!tpu.dma_semaphore, #tpu.memory_space<semaphore_mem>>
        %dma_start3A_250 = arith.constant 0 : i32
        %dma_start3A_251 = tpu.memref_slice %arg4[%mul3A_239, %dma_start3A_250] : memref<200000x256xf32, #tpu.memory_space<hbm>> -> memref<80x256xf32, #tpu.memory_space<hbm>>
        %dma_start3A_252 = arith.constant 0 : i32
        %dma_start3A_253 = arith.constant 0 : i32
        %dma_start3A_254 = tpu.memref_slice %arg6[%dma_start3A_240, %dma_start3A_252, %dma_start3A_253] : memref<5x80x256xf32, #tpu.memory_space<vmem>> -> memref<1x80x256xf32, #tpu.memory_space<vmem>>
        %dma_start3A_255 = tpu.memref_squeeze %dma_start3A_254 : memref<1x80x256xf32, #tpu.memory_space<vmem>> -> memref<80x256xf32, #tpu.memory_space<vmem>>
        tpu.enqueue_dma source(%dma_start3A_255 : memref<80x256xf32, #tpu.memory_space<vmem>>) target(%dma_start3A_251 : memref<80x256xf32, #tpu.memory_space<hbm>>) target_semaphore(%dma_start3A_249 : memref<!tpu.dma_semaphore, #tpu.memory_space<semaphore_mem>>)
      } else {
      }
      %sub3A_134 = arith.constant 2 : i32
      %sub3A_135 = arith.subi %add3A_129, %sub3A_134 : i32
      %add3A_136 = arith.constant 5 : i32
      %add3A_137 = arith.addi %sub3A_135, %add3A_136 : i32
      %ge3A_138 = arith.constant 0 : i32
      %ge3A_139 = arith.cmpi sge, %sub3A_135, %ge3A_138 : i32
      %lt3A_140 = arith.cmpi slt, %sub3A_135, %add3A_4 : i32
      %and3A_141 = arith.andi %ge3A_139, %lt3A_140 : i1
      %convert_element_type3A_142 = arith.extui %and3A_141 : i1 to i32
      %cond3A_143 = arith.constant 0 : i32
      %cond3A_144 = arith.cmpi ne, %convert_element_type3A_142, %cond3A_143 : i32
      scf.if %cond3A_144 {
        %add3A_224 = arith.addi %add3A_8, %sub3A_135 : i32
        %mul3A_225 = arith.constant 80 : i32
        %mul3A_226 = arith.muli %add3A_224, %mul3A_225 : i32
        %dma_wait3A = arith.constant 4 : i32
        %dma_wait3A_227 = arith.constant 4 : i32
        %dma_wait3A_228 = arith.constant 0 : i32
        %dma_wait3A_229 = arith.constant 0 : i32
        %dma_wait3A_230 = tpu.memref_slice %arg6[%dma_wait3A, %dma_wait3A_228, %dma_wait3A_229] : memref<5x80x256xf32, #tpu.memory_space<vmem>> -> memref<1x80x256xf32, #tpu.memory_space<vmem>>
        %dma_wait3A_231 = tpu.memref_squeeze %dma_wait3A_230 : memref<1x80x256xf32, #tpu.memory_space<vmem>> -> memref<80x256xf32, #tpu.memory_space<vmem>>
        %dma_wait3A_232 = arith.constant 0 : i32
        %dma_wait3A_233 = tpu.memref_slice %arg4[%mul3A_226, %dma_wait3A_232] : memref<200000x256xf32, #tpu.memory_space<hbm>> -> memref<80x256xf32, #tpu.memory_space<hbm>>
        %dma_wait3A_234 = tpu.memref_slice %arg8[%dma_wait3A_227] : memref<5x!tpu.dma_semaphore, #tpu.memory_space<semaphore_mem>> -> memref<1x!tpu.dma_semaphore, #tpu.memory_space<semaphore_mem>>
        %dma_wait3A_235 = tpu.memref_squeeze %dma_wait3A_234 : memref<1x!tpu.dma_semaphore, #tpu.memory_space<semaphore_mem>> -> memref<!tpu.dma_semaphore, #tpu.memory_space<semaphore_mem>>
        %dma_wait3A_236 = arith.constant 0 : i32
        %dma_wait3A_237 = tpu.memref_slice %arg4[%mul3A_226, %dma_wait3A_236] : memref<200000x256xf32, #tpu.memory_space<hbm>> -> memref<80x256xf32, #tpu.memory_space<hbm>>
        %dma_wait3A_238 = arith.constant 0 : i32
        %dma_wait3A_239 = arith.constant 0 : i32
        %dma_wait3A_240 = tpu.memref_slice %arg6[%dma_wait3A, %dma_wait3A_238, %dma_wait3A_239] : memref<5x80x256xf32, #tpu.memory_space<vmem>> -> memref<1x80x256xf32, #tpu.memory_space<vmem>>
        %dma_wait3A_241 = tpu.memref_squeeze %dma_wait3A_240 : memref<1x80x256xf32, #tpu.memory_space<vmem>> -> memref<80x256xf32, #tpu.memory_space<vmem>>
        tpu.wait_dma2 semaphore(%dma_wait3A_235 : memref<!tpu.dma_semaphore, #tpu.memory_space<semaphore_mem>>) src(%dma_wait3A_241 : memref<80x256xf32, #tpu.memory_space<vmem>>) dst(%dma_wait3A_237 : memref<80x256xf32, #tpu.memory_space<hbm>>)
      } else {
      }
      %ge3A_145 = arith.constant 5 : i32
      %ge3A_146 = arith.cmpi sge, %add3A_137, %ge3A_145 : i32
      %lt3A_147 = arith.cmpi slt, %add3A_137, %add3A_4 : i32
      %and3A_148 = arith.andi %ge3A_146, %lt3A_147 : i1
      %convert_element_type3A_149 = arith.extui %and3A_148 : i1 to i32
      %cond3A_150 = arith.constant 0 : i32
      %cond3A_151 = arith.cmpi ne, %convert_element_type3A_149, %cond3A_150 : i32
      scf.if %cond3A_151 {
        %mul3A_224 = arith.constant 80 : i32
        %mul3A_225 = arith.muli %add3A_137, %mul3A_224 : i32
        %dma_start3A_226 = arith.constant 4 : i32
        %dma_start3A_227 = arith.constant 4 : i32
        %dma_start3A_228 = arith.constant 0 : i32
        %dma_start3A_229 = arith.constant 0 : i32
        %dma_start3A_230 = tpu.memref_slice %arg6[%dma_start3A_226, %dma_start3A_228, %dma_start3A_229] : memref<5x80x256xf32, #tpu.memory_space<vmem>> -> memref<1x80x256xf32, #tpu.memory_space<vmem>>
        %dma_start3A_231 = tpu.memref_squeeze %dma_start3A_230 : memref<1x80x256xf32, #tpu.memory_space<vmem>> -> memref<80x256xf32, #tpu.memory_space<vmem>>
        %dma_start3A_232 = tpu.memref_slice %arg5[%mul3A_225] : memref<6320xi32, #tpu.memory_space<vmem>> -> memref<80xi32, #tpu.memory_space<vmem>>
        %dma_start3A_233 = arith.constant 0 : i32
        %dma_start3A_234 = arith.constant 0 : i32
        %dma_start3A_235 = tpu.memref_slice %arg3[%dma_start3A_233, %dma_start3A_234] : memref<10000x256xf32, #tpu.memory_space<hbm>> -> memref<10000x256xf32, #tpu.memory_space<hbm>>
        %dma_start3A_236 = tpu.memref_slice %arg7[%dma_start3A_227] : memref<5x!tpu.dma_semaphore, #tpu.memory_space<semaphore_mem>> -> memref<1x!tpu.dma_semaphore, #tpu.memory_space<semaphore_mem>>
        %dma_start3A_237 = tpu.memref_squeeze %dma_start3A_236 : memref<1x!tpu.dma_semaphore, #tpu.memory_space<semaphore_mem>> -> memref<!tpu.dma_semaphore, #tpu.memory_space<semaphore_mem>>
        tpu.enqueue_indirect_dma source(%dma_start3A_235 : memref<10000x256xf32, #tpu.memory_space<hbm>>) target(%dma_start3A_231 : memref<80x256xf32, #tpu.memory_space<vmem>>) offsets(%dma_start3A_232 : memref<80xi32, #tpu.memory_space<vmem>>) semaphore(%dma_start3A_237 : memref<!tpu.dma_semaphore, #tpu.memory_space<semaphore_mem>>)
      } else {
      }
      %add3A_152 = arith.constant 2 : i32
      %add3A_153 = arith.addi %mul3A_106, %add3A_152 : i32
      %lt3A_154 = arith.cmpi slt, %add3A_153, %add3A_4 : i32
      %convert_element_type3A_155 = arith.extui %lt3A_154 : i1 to i32
      %cond3A_156 = arith.constant 0 : i32
      %cond3A_157 = arith.cmpi ne, %convert_element_type3A_155, %cond3A_156 : i32
      scf.if %cond3A_157 {
        %mul3A_224 = arith.constant 80 : i32
        %mul3A_225 = arith.muli %add3A_153, %mul3A_224 : i32
        %dma_wait3A = arith.constant 2 : i32
        %dma_wait3A_226 = arith.constant 2 : i32
        %dma_wait3A_227 = arith.constant 0 : i32
        %dma_wait3A_228 = arith.constant 0 : i32
        %dma_wait3A_229 = tpu.memref_slice %arg6[%dma_wait3A, %dma_wait3A_227, %dma_wait3A_228] : memref<5x80x256xf32, #tpu.memory_space<vmem>> -> memref<1x80x256xf32, #tpu.memory_space<vmem>>
        %dma_wait3A_230 = tpu.memref_squeeze %dma_wait3A_229 : memref<1x80x256xf32, #tpu.memory_space<vmem>> -> memref<80x256xf32, #tpu.memory_space<vmem>>
        %dma_wait3A_231 = tpu.memref_slice %arg5[%mul3A_225] : memref<6320xi32, #tpu.memory_space<vmem>> -> memref<80xi32, #tpu.memory_space<vmem>>
        %dma_wait3A_232 = arith.constant 0 : i32
        %dma_wait3A_233 = arith.constant 0 : i32
        %dma_wait3A_234 = tpu.memref_slice %arg3[%dma_wait3A_232, %dma_wait3A_233] : memref<10000x256xf32, #tpu.memory_space<hbm>> -> memref<10000x256xf32, #tpu.memory_space<hbm>>
        %dma_wait3A_235 = tpu.memref_slice %arg7[%dma_wait3A_226] : memref<5x!tpu.dma_semaphore, #tpu.memory_space<semaphore_mem>> -> memref<1x!tpu.dma_semaphore, #tpu.memory_space<semaphore_mem>>
        %dma_wait3A_236 = tpu.memref_squeeze %dma_wait3A_235 : memref<1x!tpu.dma_semaphore, #tpu.memory_space<semaphore_mem>> -> memref<!tpu.dma_semaphore, #tpu.memory_space<semaphore_mem>>
        tpu.wait_indirect_dma semaphore(%dma_wait3A_236 : memref<!tpu.dma_semaphore, #tpu.memory_space<semaphore_mem>>) src(%dma_wait3A_234 : memref<10000x256xf32, #tpu.memory_space<hbm>>) dst(%dma_wait3A_230 : memref<80x256xf32, #tpu.memory_space<vmem>>)
        %add3A_237 = arith.addi %add3A_8, %add3A_153 : i32
        %mul3A_238 = arith.constant 80 : i32
        %mul3A_239 = arith.muli %add3A_237, %mul3A_238 : i32
        %dma_start3A_240 = arith.constant 2 : i32
        %dma_start3A_241 = arith.constant 2 : i32
        %dma_start3A_242 = arith.constant 0 : i32
        %dma_start3A_243 = arith.constant 0 : i32
        %dma_start3A_244 = tpu.memref_slice %arg6[%dma_start3A_240, %dma_start3A_242, %dma_start3A_243] : memref<5x80x256xf32, #tpu.memory_space<vmem>> -> memref<1x80x256xf32, #tpu.memory_space<vmem>>
        %dma_start3A_245 = tpu.memref_squeeze %dma_start3A_244 : memref<1x80x256xf32, #tpu.memory_space<vmem>> -> memref<80x256xf32, #tpu.memory_space<vmem>>
        %dma_start3A_246 = arith.constant 0 : i32
        %dma_start3A_247 = tpu.memref_slice %arg4[%mul3A_239, %dma_start3A_246] : memref<200000x256xf32, #tpu.memory_space<hbm>> -> memref<80x256xf32, #tpu.memory_space<hbm>>
        %dma_start3A_248 = tpu.memref_slice %arg8[%dma_start3A_241] : memref<5x!tpu.dma_semaphore, #tpu.memory_space<semaphore_mem>> -> memref<1x!tpu.dma_semaphore, #tpu.memory_space<semaphore_mem>>
        %dma_start3A_249 = tpu.memref_squeeze %dma_start3A_248 : memref<1x!tpu.dma_semaphore, #tpu.memory_space<semaphore_mem>> -> memref<!tpu.dma_semaphore, #tpu.memory_space<semaphore_mem>>
        %dma_start3A_250 = arith.constant 0 : i32
        %dma_start3A_251 = tpu.memref_slice %arg4[%mul3A_239, %dma_start3A_250] : memref<200000x256xf32, #tpu.memory_space<hbm>> -> memref<80x256xf32, #tpu.memory_space<hbm>>
        %dma_start3A_252 = arith.constant 0 : i32
        %dma_start3A_253 = arith.constant 0 : i32
        %dma_start3A_254 = tpu.memref_slice %arg6[%dma_start3A_240, %dma_start3A_252, %dma_start3A_253] : memref<5x80x256xf32, #tpu.memory_space<vmem>> -> memref<1x80x256xf32, #tpu.memory_space<vmem>>
        %dma_start3A_255 = tpu.memref_squeeze %dma_start3A_254 : memref<1x80x256xf32, #tpu.memory_space<vmem>> -> memref<80x256xf32, #tpu.memory_space<vmem>>
        tpu.enqueue_dma source(%dma_start3A_255 : memref<80x256xf32, #tpu.memory_space<vmem>>) target(%dma_start3A_251 : memref<80x256xf32, #tpu.memory_space<hbm>>) target_semaphore(%dma_start3A_249 : memref<!tpu.dma_semaphore, #tpu.memory_space<semaphore_mem>>)
      } else {
      }
      %sub3A_158 = arith.constant 2 : i32
      %sub3A_159 = arith.subi %add3A_153, %sub3A_158 : i32
      %add3A_160 = arith.constant 5 : i32
      %add3A_161 = arith.addi %sub3A_159, %add3A_160 : i32
      %ge3A_162 = arith.constant 0 : i32
      %ge3A_163 = arith.cmpi sge, %sub3A_159, %ge3A_162 : i32
      %lt3A_164 = arith.cmpi slt, %sub3A_159, %add3A_4 : i32
      %and3A_165 = arith.andi %ge3A_163, %lt3A_164 : i1
      %convert_element_type3A_166 = arith.extui %and3A_165 : i1 to i32
      %cond3A_167 = arith.constant 0 : i32
      %cond3A_168 = arith.cmpi ne, %convert_element_type3A_166, %cond3A_167 : i32
      scf.if %cond3A_168 {
        %add3A_224 = arith.addi %add3A_8, %sub3A_159 : i32
        %mul3A_225 = arith.constant 80 : i32
        %mul3A_226 = arith.muli %add3A_224, %mul3A_225 : i32
        %dma_wait3A = arith.constant 0 : i32
        %dma_wait3A_227 = arith.constant 0 : i32
        %dma_wait3A_228 = arith.constant 0 : i32
        %dma_wait3A_229 = arith.constant 0 : i32
        %dma_wait3A_230 = tpu.memref_slice %arg6[%dma_wait3A, %dma_wait3A_228, %dma_wait3A_229] : memref<5x80x256xf32, #tpu.memory_space<vmem>> -> memref<1x80x256xf32, #tpu.memory_space<vmem>>
        %dma_wait3A_231 = tpu.memref_squeeze %dma_wait3A_230 : memref<1x80x256xf32, #tpu.memory_space<vmem>> -> memref<80x256xf32, #tpu.memory_space<vmem>>
        %dma_wait3A_232 = arith.constant 0 : i32
        %dma_wait3A_233 = tpu.memref_slice %arg4[%mul3A_226, %dma_wait3A_232] : memref<200000x256xf32, #tpu.memory_space<hbm>> -> memref<80x256xf32, #tpu.memory_space<hbm>>
        %dma_wait3A_234 = tpu.memref_slice %arg8[%dma_wait3A_227] : memref<5x!tpu.dma_semaphore, #tpu.memory_space<semaphore_mem>> -> memref<1x!tpu.dma_semaphore, #tpu.memory_space<semaphore_mem>>
        %dma_wait3A_235 = tpu.memref_squeeze %dma_wait3A_234 : memref<1x!tpu.dma_semaphore, #tpu.memory_space<semaphore_mem>> -> memref<!tpu.dma_semaphore, #tpu.memory_space<semaphore_mem>>
        %dma_wait3A_236 = arith.constant 0 : i32
        %dma_wait3A_237 = tpu.memref_slice %arg4[%mul3A_226, %dma_wait3A_236] : memref<200000x256xf32, #tpu.memory_space<hbm>> -> memref<80x256xf32, #tpu.memory_space<hbm>>
        %dma_wait3A_238 = arith.constant 0 : i32
        %dma_wait3A_239 = arith.constant 0 : i32
        %dma_wait3A_240 = tpu.memref_slice %arg6[%dma_wait3A, %dma_wait3A_238, %dma_wait3A_239] : memref<5x80x256xf32, #tpu.memory_space<vmem>> -> memref<1x80x256xf32, #tpu.memory_space<vmem>>
        %dma_wait3A_241 = tpu.memref_squeeze %dma_wait3A_240 : memref<1x80x256xf32, #tpu.memory_space<vmem>> -> memref<80x256xf32, #tpu.memory_space<vmem>>
        tpu.wait_dma2 semaphore(%dma_wait3A_235 : memref<!tpu.dma_semaphore, #tpu.memory_space<semaphore_mem>>) src(%dma_wait3A_241 : memref<80x256xf32, #tpu.memory_space<vmem>>) dst(%dma_wait3A_237 : memref<80x256xf32, #tpu.memory_space<hbm>>)
      } else {
      }
      %ge3A_169 = arith.constant 5 : i32
      %ge3A_170 = arith.cmpi sge, %add3A_161, %ge3A_169 : i32
      %lt3A_171 = arith.cmpi slt, %add3A_161, %add3A_4 : i32
      %and3A_172 = arith.andi %ge3A_170, %lt3A_171 : i1
      %convert_element_type3A_173 = arith.extui %and3A_172 : i1 to i32
      %cond3A_174 = arith.constant 0 : i32
      %cond3A_175 = arith.cmpi ne, %convert_element_type3A_173, %cond3A_174 : i32
      scf.if %cond3A_175 {
        %mul3A_224 = arith.constant 80 : i32
        %mul3A_225 = arith.muli %add3A_161, %mul3A_224 : i32
        %dma_start3A_226 = arith.constant 0 : i32
        %dma_start3A_227 = arith.constant 0 : i32
        %dma_start3A_228 = arith.constant 0 : i32
        %dma_start3A_229 = arith.constant 0 : i32
        %dma_start3A_230 = tpu.memref_slice %arg6[%dma_start3A_226, %dma_start3A_228, %dma_start3A_229] : memref<5x80x256xf32, #tpu.memory_space<vmem>> -> memref<1x80x256xf32, #tpu.memory_space<vmem>>
        %dma_start3A_231 = tpu.memref_squeeze %dma_start3A_230 : memref<1x80x256xf32, #tpu.memory_space<vmem>> -> memref<80x256xf32, #tpu.memory_space<vmem>>
        %dma_start3A_232 = tpu.memref_slice %arg5[%mul3A_225] : memref<6320xi32, #tpu.memory_space<vmem>> -> memref<80xi32, #tpu.memory_space<vmem>>
        %dma_start3A_233 = arith.constant 0 : i32
        %dma_start3A_234 = arith.constant 0 : i32
        %dma_start3A_235 = tpu.memref_slice %arg3[%dma_start3A_233, %dma_start3A_234] : memref<10000x256xf32, #tpu.memory_space<hbm>> -> memref<10000x256xf32, #tpu.memory_space<hbm>>
        %dma_start3A_236 = tpu.memref_slice %arg7[%dma_start3A_227] : memref<5x!tpu.dma_semaphore, #tpu.memory_space<semaphore_mem>> -> memref<1x!tpu.dma_semaphore, #tpu.memory_space<semaphore_mem>>
        %dma_start3A_237 = tpu.memref_squeeze %dma_start3A_236 : memref<1x!tpu.dma_semaphore, #tpu.memory_space<semaphore_mem>> -> memref<!tpu.dma_semaphore, #tpu.memory_space<semaphore_mem>>
        tpu.enqueue_indirect_dma source(%dma_start3A_235 : memref<10000x256xf32, #tpu.memory_space<hbm>>) target(%dma_start3A_231 : memref<80x256xf32, #tpu.memory_space<vmem>>) offsets(%dma_start3A_232 : memref<80xi32, #tpu.memory_space<vmem>>) semaphore(%dma_start3A_237 : memref<!tpu.dma_semaphore, #tpu.memory_space<semaphore_mem>>)
      } else {
      }
      %add3A_176 = arith.constant 3 : i32
      %add3A_177 = arith.addi %mul3A_106, %add3A_176 : i32
      %lt3A_178 = arith.cmpi slt, %add3A_177, %add3A_4 : i32
      %convert_element_type3A_179 = arith.extui %lt3A_178 : i1 to i32
      %cond3A_180 = arith.constant 0 : i32
      %cond3A_181 = arith.cmpi ne, %convert_element_type3A_179, %cond3A_180 : i32
      scf.if %cond3A_181 {
        %mul3A_224 = arith.constant 80 : i32
        %mul3A_225 = arith.muli %add3A_177, %mul3A_224 : i32
        %dma_wait3A = arith.constant 3 : i32
        %dma_wait3A_226 = arith.constant 3 : i32
        %dma_wait3A_227 = arith.constant 0 : i32
        %dma_wait3A_228 = arith.constant 0 : i32
        %dma_wait3A_229 = tpu.memref_slice %arg6[%dma_wait3A, %dma_wait3A_227, %dma_wait3A_228] : memref<5x80x256xf32, #tpu.memory_space<vmem>> -> memref<1x80x256xf32, #tpu.memory_space<vmem>>
        %dma_wait3A_230 = tpu.memref_squeeze %dma_wait3A_229 : memref<1x80x256xf32, #tpu.memory_space<vmem>> -> memref<80x256xf32, #tpu.memory_space<vmem>>
        %dma_wait3A_231 = tpu.memref_slice %arg5[%mul3A_225] : memref<6320xi32, #tpu.memory_space<vmem>> -> memref<80xi32, #tpu.memory_space<vmem>>
        %dma_wait3A_232 = arith.constant 0 : i32
        %dma_wait3A_233 = arith.constant 0 : i32
        %dma_wait3A_234 = tpu.memref_slice %arg3[%dma_wait3A_232, %dma_wait3A_233] : memref<10000x256xf32, #tpu.memory_space<hbm>> -> memref<10000x256xf32, #tpu.memory_space<hbm>>
        %dma_wait3A_235 = tpu.memref_slice %arg7[%dma_wait3A_226] : memref<5x!tpu.dma_semaphore, #tpu.memory_space<semaphore_mem>> -> memref<1x!tpu.dma_semaphore, #tpu.memory_space<semaphore_mem>>
        %dma_wait3A_236 = tpu.memref_squeeze %dma_wait3A_235 : memref<1x!tpu.dma_semaphore, #tpu.memory_space<semaphore_mem>> -> memref<!tpu.dma_semaphore, #tpu.memory_space<semaphore_mem>>
        tpu.wait_indirect_dma semaphore(%dma_wait3A_236 : memref<!tpu.dma_semaphore, #tpu.memory_space<semaphore_mem>>) src(%dma_wait3A_234 : memref<10000x256xf32, #tpu.memory_space<hbm>>) dst(%dma_wait3A_230 : memref<80x256xf32, #tpu.memory_space<vmem>>)
        %add3A_237 = arith.addi %add3A_8, %add3A_177 : i32
        %mul3A_238 = arith.constant 80 : i32
        %mul3A_239 = arith.muli %add3A_237, %mul3A_238 : i32
        %dma_start3A_240 = arith.constant 3 : i32
        %dma_start3A_241 = arith.constant 3 : i32
        %dma_start3A_242 = arith.constant 0 : i32
        %dma_start3A_243 = arith.constant 0 : i32
        %dma_start3A_244 = tpu.memref_slice %arg6[%dma_start3A_240, %dma_start3A_242, %dma_start3A_243] : memref<5x80x256xf32, #tpu.memory_space<vmem>> -> memref<1x80x256xf32, #tpu.memory_space<vmem>>
        %dma_start3A_245 = tpu.memref_squeeze %dma_start3A_244 : memref<1x80x256xf32, #tpu.memory_space<vmem>> -> memref<80x256xf32, #tpu.memory_space<vmem>>
        %dma_start3A_246 = arith.constant 0 : i32
        %dma_start3A_247 = tpu.memref_slice %arg4[%mul3A_239, %dma_start3A_246] : memref<200000x256xf32, #tpu.memory_space<hbm>> -> memref<80x256xf32, #tpu.memory_space<hbm>>
        %dma_start3A_248 = tpu.memref_slice %arg8[%dma_start3A_241] : memref<5x!tpu.dma_semaphore, #tpu.memory_space<semaphore_mem>> -> memref<1x!tpu.dma_semaphore, #tpu.memory_space<semaphore_mem>>
        %dma_start3A_249 = tpu.memref_squeeze %dma_start3A_248 : memref<1x!tpu.dma_semaphore, #tpu.memory_space<semaphore_mem>> -> memref<!tpu.dma_semaphore, #tpu.memory_space<semaphore_mem>>
        %dma_start3A_250 = arith.constant 0 : i32
        %dma_start3A_251 = tpu.memref_slice %arg4[%mul3A_239, %dma_start3A_250] : memref<200000x256xf32, #tpu.memory_space<hbm>> -> memref<80x256xf32, #tpu.memory_space<hbm>>
        %dma_start3A_252 = arith.constant 0 : i32
        %dma_start3A_253 = arith.constant 0 : i32
        %dma_start3A_254 = tpu.memref_slice %arg6[%dma_start3A_240, %dma_start3A_252, %dma_start3A_253] : memref<5x80x256xf32, #tpu.memory_space<vmem>> -> memref<1x80x256xf32, #tpu.memory_space<vmem>>
        %dma_start3A_255 = tpu.memref_squeeze %dma_start3A_254 : memref<1x80x256xf32, #tpu.memory_space<vmem>> -> memref<80x256xf32, #tpu.memory_space<vmem>>
        tpu.enqueue_dma source(%dma_start3A_255 : memref<80x256xf32, #tpu.memory_space<vmem>>) target(%dma_start3A_251 : memref<80x256xf32, #tpu.memory_space<hbm>>) target_semaphore(%dma_start3A_249 : memref<!tpu.dma_semaphore, #tpu.memory_space<semaphore_mem>>)
      } else {
      }
      %sub3A_182 = arith.constant 2 : i32
      %sub3A_183 = arith.subi %add3A_177, %sub3A_182 : i32
      %add3A_184 = arith.constant 5 : i32
      %add3A_185 = arith.addi %sub3A_183, %add3A_184 : i32
      %ge3A_186 = arith.constant 0 : i32
      %ge3A_187 = arith.cmpi sge, %sub3A_183, %ge3A_186 : i32
      %lt3A_188 = arith.cmpi slt, %sub3A_183, %add3A_4 : i32
      %and3A_189 = arith.andi %ge3A_187, %lt3A_188 : i1
      %convert_element_type3A_190 = arith.extui %and3A_189 : i1 to i32
      %cond3A_191 = arith.constant 0 : i32
      %cond3A_192 = arith.cmpi ne, %convert_element_type3A_190, %cond3A_191 : i32
      scf.if %cond3A_192 {
        %add3A_224 = arith.addi %add3A_8, %sub3A_183 : i32
        %mul3A_225 = arith.constant 80 : i32
        %mul3A_226 = arith.muli %add3A_224, %mul3A_225 : i32
        %dma_wait3A = arith.constant 1 : i32
        %dma_wait3A_227 = arith.constant 1 : i32
        %dma_wait3A_228 = arith.constant 0 : i32
        %dma_wait3A_229 = arith.constant 0 : i32
        %dma_wait3A_230 = tpu.memref_slice %arg6[%dma_wait3A, %dma_wait3A_228, %dma_wait3A_229] : memref<5x80x256xf32, #tpu.memory_space<vmem>> -> memref<1x80x256xf32, #tpu.memory_space<vmem>>
        %dma_wait3A_231 = tpu.memref_squeeze %dma_wait3A_230 : memref<1x80x256xf32, #tpu.memory_space<vmem>> -> memref<80x256xf32, #tpu.memory_space<vmem>>
        %dma_wait3A_232 = arith.constant 0 : i32
        %dma_wait3A_233 = tpu.memref_slice %arg4[%mul3A_226, %dma_wait3A_232] : memref<200000x256xf32, #tpu.memory_space<hbm>> -> memref<80x256xf32, #tpu.memory_space<hbm>>
        %dma_wait3A_234 = tpu.memref_slice %arg8[%dma_wait3A_227] : memref<5x!tpu.dma_semaphore, #tpu.memory_space<semaphore_mem>> -> memref<1x!tpu.dma_semaphore, #tpu.memory_space<semaphore_mem>>
        %dma_wait3A_235 = tpu.memref_squeeze %dma_wait3A_234 : memref<1x!tpu.dma_semaphore, #tpu.memory_space<semaphore_mem>> -> memref<!tpu.dma_semaphore, #tpu.memory_space<semaphore_mem>>
        %dma_wait3A_236 = arith.constant 0 : i32
        %dma_wait3A_237 = tpu.memref_slice %arg4[%mul3A_226, %dma_wait3A_236] : memref<200000x256xf32, #tpu.memory_space<hbm>> -> memref<80x256xf32, #tpu.memory_space<hbm>>
        %dma_wait3A_238 = arith.constant 0 : i32
        %dma_wait3A_239 = arith.constant 0 : i32
        %dma_wait3A_240 = tpu.memref_slice %arg6[%dma_wait3A, %dma_wait3A_238, %dma_wait3A_239] : memref<5x80x256xf32, #tpu.memory_space<vmem>> -> memref<1x80x256xf32, #tpu.memory_space<vmem>>
        %dma_wait3A_241 = tpu.memref_squeeze %dma_wait3A_240 : memref<1x80x256xf32, #tpu.memory_space<vmem>> -> memref<80x256xf32, #tpu.memory_space<vmem>>
        tpu.wait_dma2 semaphore(%dma_wait3A_235 : memref<!tpu.dma_semaphore, #tpu.memory_space<semaphore_mem>>) src(%dma_wait3A_241 : memref<80x256xf32, #tpu.memory_space<vmem>>) dst(%dma_wait3A_237 : memref<80x256xf32, #tpu.memory_space<hbm>>)
      } else {
      }
      %ge3A_193 = arith.constant 5 : i32
      %ge3A_194 = arith.cmpi sge, %add3A_185, %ge3A_193 : i32
      %lt3A_195 = arith.cmpi slt, %add3A_185, %add3A_4 : i32
      %and3A_196 = arith.andi %ge3A_194, %lt3A_195 : i1
      %convert_element_type3A_197 = arith.extui %and3A_196 : i1 to i32
      %cond3A_198 = arith.constant 0 : i32
      %cond3A_199 = arith.cmpi ne, %convert_element_type3A_197, %cond3A_198 : i32
      scf.if %cond3A_199 {
        %mul3A_224 = arith.constant 80 : i32
        %mul3A_225 = arith.muli %add3A_185, %mul3A_224 : i32
        %dma_start3A_226 = arith.constant 1 : i32
        %dma_start3A_227 = arith.constant 1 : i32
        %dma_start3A_228 = arith.constant 0 : i32
        %dma_start3A_229 = arith.constant 0 : i32
        %dma_start3A_230 = tpu.memref_slice %arg6[%dma_start3A_226, %dma_start3A_228, %dma_start3A_229] : memref<5x80x256xf32, #tpu.memory_space<vmem>> -> memref<1x80x256xf32, #tpu.memory_space<vmem>>
        %dma_start3A_231 = tpu.memref_squeeze %dma_start3A_230 : memref<1x80x256xf32, #tpu.memory_space<vmem>> -> memref<80x256xf32, #tpu.memory_space<vmem>>
        %dma_start3A_232 = tpu.memref_slice %arg5[%mul3A_225] : memref<6320xi32, #tpu.memory_space<vmem>> -> memref<80xi32, #tpu.memory_space<vmem>>
        %dma_start3A_233 = arith.constant 0 : i32
        %dma_start3A_234 = arith.constant 0 : i32
        %dma_start3A_235 = tpu.memref_slice %arg3[%dma_start3A_233, %dma_start3A_234] : memref<10000x256xf32, #tpu.memory_space<hbm>> -> memref<10000x256xf32, #tpu.memory_space<hbm>>
        %dma_start3A_236 = tpu.memref_slice %arg7[%dma_start3A_227] : memref<5x!tpu.dma_semaphore, #tpu.memory_space<semaphore_mem>> -> memref<1x!tpu.dma_semaphore, #tpu.memory_space<semaphore_mem>>
        %dma_start3A_237 = tpu.memref_squeeze %dma_start3A_236 : memref<1x!tpu.dma_semaphore, #tpu.memory_space<semaphore_mem>> -> memref<!tpu.dma_semaphore, #tpu.memory_space<semaphore_mem>>
        tpu.enqueue_indirect_dma source(%dma_start3A_235 : memref<10000x256xf32, #tpu.memory_space<hbm>>) target(%dma_start3A_231 : memref<80x256xf32, #tpu.memory_space<vmem>>) offsets(%dma_start3A_232 : memref<80xi32, #tpu.memory_space<vmem>>) semaphore(%dma_start3A_237 : memref<!tpu.dma_semaphore, #tpu.memory_space<semaphore_mem>>)
      } else {
      }
      %add3A_200 = arith.constant 4 : i32
      %add3A_201 = arith.addi %mul3A_106, %add3A_200 : i32
      %lt3A_202 = arith.cmpi slt, %add3A_201, %add3A_4 : i32
      %convert_element_type3A_203 = arith.extui %lt3A_202 : i1 to i32
      %cond3A_204 = arith.constant 0 : i32
      %cond3A_205 = arith.cmpi ne, %convert_element_type3A_203, %cond3A_204 : i32
      scf.if %cond3A_205 {
        %mul3A_224 = arith.constant 80 : i32
        %mul3A_225 = arith.muli %add3A_201, %mul3A_224 : i32
        %dma_wait3A = arith.constant 4 : i32
        %dma_wait3A_226 = arith.constant 4 : i32
        %dma_wait3A_227 = arith.constant 0 : i32
        %dma_wait3A_228 = arith.constant 0 : i32
        %dma_wait3A_229 = tpu.memref_slice %arg6[%dma_wait3A, %dma_wait3A_227, %dma_wait3A_228] : memref<5x80x256xf32, #tpu.memory_space<vmem>> -> memref<1x80x256xf32, #tpu.memory_space<vmem>>
        %dma_wait3A_230 = tpu.memref_squeeze %dma_wait3A_229 : memref<1x80x256xf32, #tpu.memory_space<vmem>> -> memref<80x256xf32, #tpu.memory_space<vmem>>
        %dma_wait3A_231 = tpu.memref_slice %arg5[%mul3A_225] : memref<6320xi32, #tpu.memory_space<vmem>> -> memref<80xi32, #tpu.memory_space<vmem>>
        %dma_wait3A_232 = arith.constant 0 : i32
        %dma_wait3A_233 = arith.constant 0 : i32
        %dma_wait3A_234 = tpu.memref_slice %arg3[%dma_wait3A_232, %dma_wait3A_233] : memref<10000x256xf32, #tpu.memory_space<hbm>> -> memref<10000x256xf32, #tpu.memory_space<hbm>>
        %dma_wait3A_235 = tpu.memref_slice %arg7[%dma_wait3A_226] : memref<5x!tpu.dma_semaphore, #tpu.memory_space<semaphore_mem>> -> memref<1x!tpu.dma_semaphore, #tpu.memory_space<semaphore_mem>>
        %dma_wait3A_236 = tpu.memref_squeeze %dma_wait3A_235 : memref<1x!tpu.dma_semaphore, #tpu.memory_space<semaphore_mem>> -> memref<!tpu.dma_semaphore, #tpu.memory_space<semaphore_mem>>
        tpu.wait_indirect_dma semaphore(%dma_wait3A_236 : memref<!tpu.dma_semaphore, #tpu.memory_space<semaphore_mem>>) src(%dma_wait3A_234 : memref<10000x256xf32, #tpu.memory_space<hbm>>) dst(%dma_wait3A_230 : memref<80x256xf32, #tpu.memory_space<vmem>>)
        %add3A_237 = arith.addi %add3A_8, %add3A_201 : i32
        %mul3A_238 = arith.constant 80 : i32
        %mul3A_239 = arith.muli %add3A_237, %mul3A_238 : i32
        %dma_start3A_240 = arith.constant 4 : i32
        %dma_start3A_241 = arith.constant 4 : i32
        %dma_start3A_242 = arith.constant 0 : i32
        %dma_start3A_243 = arith.constant 0 : i32
        %dma_start3A_244 = tpu.memref_slice %arg6[%dma_start3A_240, %dma_start3A_242, %dma_start3A_243] : memref<5x80x256xf32, #tpu.memory_space<vmem>> -> memref<1x80x256xf32, #tpu.memory_space<vmem>>
        %dma_start3A_245 = tpu.memref_squeeze %dma_start3A_244 : memref<1x80x256xf32, #tpu.memory_space<vmem>> -> memref<80x256xf32, #tpu.memory_space<vmem>>
        %dma_start3A_246 = arith.constant 0 : i32
        %dma_start3A_247 = tpu.memref_slice %arg4[%mul3A_239, %dma_start3A_246] : memref<200000x256xf32, #tpu.memory_space<hbm>> -> memref<80x256xf32, #tpu.memory_space<hbm>>
        %dma_start3A_248 = tpu.memref_slice %arg8[%dma_start3A_241] : memref<5x!tpu.dma_semaphore, #tpu.memory_space<semaphore_mem>> -> memref<1x!tpu.dma_semaphore, #tpu.memory_space<semaphore_mem>>
        %dma_start3A_249 = tpu.memref_squeeze %dma_start3A_248 : memref<1x!tpu.dma_semaphore, #tpu.memory_space<semaphore_mem>> -> memref<!tpu.dma_semaphore, #tpu.memory_space<semaphore_mem>>
        %dma_start3A_250 = arith.constant 0 : i32
        %dma_start3A_251 = tpu.memref_slice %arg4[%mul3A_239, %dma_start3A_250] : memref<200000x256xf32, #tpu.memory_space<hbm>> -> memref<80x256xf32, #tpu.memory_space<hbm>>
        %dma_start3A_252 = arith.constant 0 : i32
        %dma_start3A_253 = arith.constant 0 : i32
        %dma_start3A_254 = tpu.memref_slice %arg6[%dma_start3A_240, %dma_start3A_252, %dma_start3A_253] : memref<5x80x256xf32, #tpu.memory_space<vmem>> -> memref<1x80x256xf32, #tpu.memory_space<vmem>>
        %dma_start3A_255 = tpu.memref_squeeze %dma_start3A_254 : memref<1x80x256xf32, #tpu.memory_space<vmem>> -> memref<80x256xf32, #tpu.memory_space<vmem>>
        tpu.enqueue_dma source(%dma_start3A_255 : memref<80x256xf32, #tpu.memory_space<vmem>>) target(%dma_start3A_251 : memref<80x256xf32, #tpu.memory_space<hbm>>) target_semaphore(%dma_start3A_249 : memref<!tpu.dma_semaphore, #tpu.memory_space<semaphore_mem>>)
      } else {
      }
      %sub3A_206 = arith.constant 2 : i32
      %sub3A_207 = arith.subi %add3A_201, %sub3A_206 : i32
      %add3A_208 = arith.constant 5 : i32
      %add3A_209 = arith.addi %sub3A_207, %add3A_208 : i32
      %ge3A_210 = arith.constant 0 : i32
      %ge3A_211 = arith.cmpi sge, %sub3A_207, %ge3A_210 : i32
      %lt3A_212 = arith.cmpi slt, %sub3A_207, %add3A_4 : i32
      %and3A_213 = arith.andi %ge3A_211, %lt3A_212 : i1
      %convert_element_type3A_214 = arith.extui %and3A_213 : i1 to i32
      %cond3A_215 = arith.constant 0 : i32
      %cond3A_216 = arith.cmpi ne, %convert_element_type3A_214, %cond3A_215 : i32
      scf.if %cond3A_216 {
        %add3A_224 = arith.addi %add3A_8, %sub3A_207 : i32
        %mul3A_225 = arith.constant 80 : i32
        %mul3A_226 = arith.muli %add3A_224, %mul3A_225 : i32
        %dma_wait3A = arith.constant 2 : i32
        %dma_wait3A_227 = arith.constant 2 : i32
        %dma_wait3A_228 = arith.constant 0 : i32
        %dma_wait3A_229 = arith.constant 0 : i32
        %dma_wait3A_230 = tpu.memref_slice %arg6[%dma_wait3A, %dma_wait3A_228, %dma_wait3A_229] : memref<5x80x256xf32, #tpu.memory_space<vmem>> -> memref<1x80x256xf32, #tpu.memory_space<vmem>>
        %dma_wait3A_231 = tpu.memref_squeeze %dma_wait3A_230 : memref<1x80x256xf32, #tpu.memory_space<vmem>> -> memref<80x256xf32, #tpu.memory_space<vmem>>
        %dma_wait3A_232 = arith.constant 0 : i32
        %dma_wait3A_233 = tpu.memref_slice %arg4[%mul3A_226, %dma_wait3A_232] : memref<200000x256xf32, #tpu.memory_space<hbm>> -> memref<80x256xf32, #tpu.memory_space<hbm>>
        %dma_wait3A_234 = tpu.memref_slice %arg8[%dma_wait3A_227] : memref<5x!tpu.dma_semaphore, #tpu.memory_space<semaphore_mem>> -> memref<1x!tpu.dma_semaphore, #tpu.memory_space<semaphore_mem>>
        %dma_wait3A_235 = tpu.memref_squeeze %dma_wait3A_234 : memref<1x!tpu.dma_semaphore, #tpu.memory_space<semaphore_mem>> -> memref<!tpu.dma_semaphore, #tpu.memory_space<semaphore_mem>>
        %dma_wait3A_236 = arith.constant 0 : i32
        %dma_wait3A_237 = tpu.memref_slice %arg4[%mul3A_226, %dma_wait3A_236] : memref<200000x256xf32, #tpu.memory_space<hbm>> -> memref<80x256xf32, #tpu.memory_space<hbm>>
        %dma_wait3A_238 = arith.constant 0 : i32
        %dma_wait3A_239 = arith.constant 0 : i32
        %dma_wait3A_240 = tpu.memref_slice %arg6[%dma_wait3A, %dma_wait3A_238, %dma_wait3A_239] : memref<5x80x256xf32, #tpu.memory_space<vmem>> -> memref<1x80x256xf32, #tpu.memory_space<vmem>>
        %dma_wait3A_241 = tpu.memref_squeeze %dma_wait3A_240 : memref<1x80x256xf32, #tpu.memory_space<vmem>> -> memref<80x256xf32, #tpu.memory_space<vmem>>
        tpu.wait_dma2 semaphore(%dma_wait3A_235 : memref<!tpu.dma_semaphore, #tpu.memory_space<semaphore_mem>>) src(%dma_wait3A_241 : memref<80x256xf32, #tpu.memory_space<vmem>>) dst(%dma_wait3A_237 : memref<80x256xf32, #tpu.memory_space<hbm>>)
      } else {
      }
      %ge3A_217 = arith.constant 5 : i32
      %ge3A_218 = arith.cmpi sge, %add3A_209, %ge3A_217 : i32
      %lt3A_219 = arith.cmpi slt, %add3A_209, %add3A_4 : i32
      %and3A_220 = arith.andi %ge3A_218, %lt3A_219 : i1
      %convert_element_type3A_221 = arith.extui %and3A_220 : i1 to i32
      %cond3A_222 = arith.constant 0 : i32
      %cond3A_223 = arith.cmpi ne, %convert_element_type3A_221, %cond3A_222 : i32
      scf.if %cond3A_223 {
        %mul3A_224 = arith.constant 80 : i32
        %mul3A_225 = arith.muli %add3A_209, %mul3A_224 : i32
        %dma_start3A_226 = arith.constant 2 : i32
        %dma_start3A_227 = arith.constant 2 : i32
        %dma_start3A_228 = arith.constant 0 : i32
        %dma_start3A_229 = arith.constant 0 : i32
        %dma_start3A_230 = tpu.memref_slice %arg6[%dma_start3A_226, %dma_start3A_228, %dma_start3A_229] : memref<5x80x256xf32, #tpu.memory_space<vmem>> -> memref<1x80x256xf32, #tpu.memory_space<vmem>>
        %dma_start3A_231 = tpu.memref_squeeze %dma_start3A_230 : memref<1x80x256xf32, #tpu.memory_space<vmem>> -> memref<80x256xf32, #tpu.memory_space<vmem>>
        %dma_start3A_232 = tpu.memref_slice %arg5[%mul3A_225] : memref<6320xi32, #tpu.memory_space<vmem>> -> memref<80xi32, #tpu.memory_space<vmem>>
        %dma_start3A_233 = arith.constant 0 : i32
        %dma_start3A_234 = arith.constant 0 : i32
        %dma_start3A_235 = tpu.memref_slice %arg3[%dma_start3A_233, %dma_start3A_234] : memref<10000x256xf32, #tpu.memory_space<hbm>> -> memref<10000x256xf32, #tpu.memory_space<hbm>>
        %dma_start3A_236 = tpu.memref_slice %arg7[%dma_start3A_227] : memref<5x!tpu.dma_semaphore, #tpu.memory_space<semaphore_mem>> -> memref<1x!tpu.dma_semaphore, #tpu.memory_space<semaphore_mem>>
        %dma_start3A_237 = tpu.memref_squeeze %dma_start3A_236 : memref<1x!tpu.dma_semaphore, #tpu.memory_space<semaphore_mem>> -> memref<!tpu.dma_semaphore, #tpu.memory_space<semaphore_mem>>
        tpu.enqueue_indirect_dma source(%dma_start3A_235 : memref<10000x256xf32, #tpu.memory_space<hbm>>) target(%dma_start3A_231 : memref<80x256xf32, #tpu.memory_space<vmem>>) offsets(%dma_start3A_232 : memref<80xi32, #tpu.memory_space<vmem>>) semaphore(%dma_start3A_237 : memref<!tpu.dma_semaphore, #tpu.memory_space<semaphore_mem>>)
      } else {
      }
    }
    return
  }
}

</mosaic_0001>

<sc_bundles>
// kernel: _sc_gather.3.cloned.1.call-start
scs
__scs_entry_jumppad:
0x0: {  	(pc) =	sbr.rel $0x88, $3  }
0x1: {  	(tag) =	ssettag $0x0;
	lr =	simm.s32 $0x1  }
0x2: {  	[smem:$0x3F9F] =	sst lr;
	_ =	strace $0xD0000000  }
0x3: {  	_ = 	snop  }
0x4: {  	_ = 	snop  }
0x5: {  	_ = 	snop  }
0x6: {  	_ = 	snop  }
0x7: {  	_ = 	snop  }
__scs_overlays_trampoline_lowered:
0x8: {  	[smem:$0x3FAE] =	sst s0  }
0x9: {  	[smem:$0x3FAF] =	sst s1  }
0xa: {  	[smem:$0x3FB0] =	sst s2  }
0xb: {  	[smem:$0x3FB1] =	sst s3  }
0xc: {  	[smem:$0x3FB2] =	sst s4  }
0xd: {  	[smem:$0x3FB3] =	sst s5  }
0xe: {  	[smem:$0x3FB4] =	sst s6  }
0xf: {  	[smem:$0x3FB5] =	sst s7  }
0x10: {  	[smem:$0x3FB6] =	sst s8  }
0x11: {  	[smem:$0x3FB7] =	sst s9;
	s0 =	simm.s32 @!p0 $0x0  }
0x12: {  	s1 =	sld [smem:$0x3F9D];
	s0 =	simm.s32 @p0 $0x1  }
0x13: {  	[smem:$0x3FB8] =	sst s0;
	s0 =	simm.s32 @!p1 $0x0  }
0x14: {  	s2 =	sld [smem:$0x3F9C];
	s0 =	simm.s32 @p1 $0x1  }
0x15: {  	[smem:$0x3FB9] =	sst s0;
	s0 =	simm.s32 @!p2 $0x0  }
0x16: {  	s3 =	sld [smem:$0x3FDB];
	s0 =	simm.s32 @p2 $0x1  }
0x17: {  	s4 =	simm.s32 $0x1BF5;
	[smem:$0x3FBB] =	sst s0  }
0x18: {  	s0 =	sld [smem:$0x3F9E];
	_ =	swait.ge [sflag:s4], $0x0  }
0x19: {  	s7 =	sld [smem:$0x3F9F]  }
0x1a: {  	s8 =	sadd.s32 $0xFFFFE003, lr  }
0x1b: {  	s9 =	sadd.s32 $0xFFFFFEF7, lr;
	s5 =	simm.s32 $0xFFFFFFFF;
	p2 =	slt.u32 s8, $0xFFFFF086  }
0x1c: {  	p1 =	slt.u32 s9, $0xF7A;
	s5 =	simm.s32 @!p2 $0x0  }
0x1d: {  	s5 =	simm.s32 @p1 $0x1;
	p0 =	seq.s32 s7, s2  }
0x1e: {  	s7 =	smul.u32 @!p0 $0xF7A, s2;
	p2 =	seq.s32 @!p0 s5, $0x0  }
0x1f: {  	s9 =	smul.u32 $0xF7A, s1;
	s8 =	simm.s32 @!p0 $0x1BF5;
	p2 =	por !p2, p0  }
0x20: {  	[sflag:s8] =	ssyncset.s32 @!p0 $0xFFFFF086;
	s6 =	sadd.s32 @!p0 s3, s7;
	s7 =	simm.s32 @!p0 $0x108  }
0x21: {  	s3 =	sadd.s32 s3, s9;
	s6 =	sadd.s32 @!p0 $0x88, s6;
	s7 =	simm.s32 @p2 $0x1082  }
0x22: {  	[simem:s7], [sflag:s8] =	dma.local @!p0 [hbm:s6], $0xF7A  }
0x23: {  	s9 =	sor.u32 $0xD0000000, s2;
	s6 =	simm.s32 $0x108;
	_ =	swait.ge @!p0 [sflag:s8], $0x0  }
0x24: {  	s3 =	sadd.s32 $0x88, s3;
	s6 =	simm.s32 @!p1 $0x1082;
	[sflag:s4] =	ssyncset.s32 $0xFFFFF086  }
0x25: {  	[simem:s6], [sflag:s4] =	dma.local [hbm:s3], $0xF7A  }
0x26: {  	[smem:$0x3F9F] =	sst s1;
	(tag) =	ssettag s2;
	_ =	strace s9  }
0x27: {  	s1 =	sld [smem:$0x3FAF]  }
0x28: {  	s2 =	sld [smem:$0x3FB0]  }
0x29: {  	s4 =	sld [smem:$0x3FB2]  }
0x2a: {  	p0 =	seq.s32 s5, $0x0;
	s5 =	sld [smem:$0x3FB3]  }
0x2b: {  	s6 =	sld [smem:$0x3FB4]  }
0x2c: {  	s7 =	sld [smem:$0x3FB5]  }
0x2d: {  	s3 =	simm.s32 $0x108;
	s8 =	sld [smem:$0x3FB6]  }
0x2e: {  	s3 =	simm.s32 @!p0 $0x1082;
	s9 =	sld [smem:$0x3FB7]  }
0x2f: {  	lr =	sadd.s32 s0, s3;
	s0 =	sld [smem:$0x3FAE]  }
0x30: {  	s3 =	sld [smem:$0x3FB1]  }
0x31: {  	[smem:$0x3FBA] =	sst s10  }
0x32: {  	s10 =	sld [smem:$0x3FB8];
	_ =	sdelay $0x3  }
0x33: {  	p0 =	seq.s32 s10, $0x1;
	s10 =	sld [smem:$0x3FBA];
	_ =	sdelay $0x3  }
0x34: {  	[smem:$0x3FBA] =	sst s10  }
0x35: {  	s10 =	sld [smem:$0x3FB9];
	_ =	sdelay $0x3  }
0x36: {  	p1 =	seq.s32 s10, $0x1;
	s10 =	sld [smem:$0x3FBA];
	_ =	sdelay $0x3  }
0x37: {  	[smem:$0x3FBA] =	sst s10  }
0x38: {  	s10 =	sld [smem:$0x3FBB]  }
0x39: {  	_ = 	snop;
	(pc) =	sbr.ind lr, $3  }
0x3a: {  	_ = 	snop  }
0x3b: {  	_ = 	snop  }
0x3c: {  	p2 =	seq.s32 s10, $0x1;
	s10 =	sld [smem:$0x3FBA]  }
0x3d: {  	_ =	shalt  }
0x3e: {  	_ =	shalt  }
0x3f: {  	_ =	shalt  }
0x40: {  	_ =	shalt  }
0x41: {  	_ =	shalt  }
0x42: {  	_ =	shalt  }
0x43: {  	_ =	shalt  }
0x44: {  	_ =	shalt  }
0x45: {  	_ =	shalt  }
0x46: {  	_ =	shalt  }
0x47: {  	_ =	shalt  }
0x48: {  	_ =	shalt  }
0x49: {  	_ =	shalt  }
0x4a: {  	_ =	shalt  }
0x4b: {  	_ =	shalt  }
0x4c: {  	_ =	shalt  }
0x4d: {  	_ =	shalt  }
0x4e: {  	_ =	shalt  }
0x4f: {  	_ =	shalt  }
0x50: {  	_ =	shalt  }
0x51: {  	_ =	shalt  }
0x52: {  	_ =	shalt  }
0x53: {  	_ =	shalt  }
0x54: {  	_ =	shalt  }
0x55: {  	_ =	shalt  }
0x56: {  	_ =	shalt  }
0x57: {  	_ =	shalt  }
0x58: {  	_ =	shalt  }
0x59: {  	_ =	shalt  }
0x5a: {  	_ =	shalt  }
0x5b: {  	_ =	shalt  }
0x5c: {  	_ =	shalt  }
0x5d: {  	_ =	shalt  }
0x5e: {  	_ =	shalt  }
0x5f: {  	_ =	shalt  }
0x60: {  	_ =	shalt  }
0x61: {  	_ =	shalt  }
0x62: {  	_ =	shalt  }
0x63: {  	_ =	shalt  }
0x64: {  	_ =	shalt  }
0x65: {  	_ =	shalt  }
0x66: {  	_ =	shalt  }
0x67: {  	_ =	shalt  }
0x68: {  	_ =	shalt  }
0x69: {  	_ =	shalt  }
0x6a: {  	_ =	shalt  }
0x6b: {  	_ =	shalt  }
0x6c: {  	_ =	shalt  }
0x6d: {  	_ =	shalt  }
0x6e: {  	_ =	shalt  }
0x6f: {  	_ =	shalt  }
0x70: {  	_ =	shalt  }
0x71: {  	_ =	shalt  }
0x72: {  	_ =	shalt  }
0x73: {  	_ =	shalt  }
0x74: {  	_ =	shalt  }
0x75: {  	_ =	shalt  }
0x76: {  	_ =	shalt  }
0x77: {  	_ =	shalt  }
0x78: {  	_ =	shalt  }
0x79: {  	_ =	shalt  }
0x7a: {  	_ =	shalt  }
0x7b: {  	_ =	shalt  }
0x7c: {  	_ =	shalt  }
0x7d: {  	_ =	shalt  }
0x7e: {  	_ =	shalt  }
0x7f: {  	_ =	shalt  }
0x80: {  	_ =	shalt  }
0x81: {  	_ =	shalt  }
0x82: {  	_ =	shalt  }
0x83: {  	_ =	shalt  }
0x84: {  	_ =	shalt  }
0x85: {  	_ =	shalt  }
0x86: {  	_ =	shalt  }
0x87: {  	_ =	shalt  }
.Lfunc_end0:
.L_simem_size_0:
called_computation_lowered:
.L_overlay_start_0:
0x88: {  	s2 =	sld [smem:$0x3FD9]  }
0x89: {  	s3 =	sld [smem:$0x3FFE];
	_ =	sdelay $0x1  }
0x8a: {  	s1 =	srdreg.scid  }
0x8b: {  	s0 =	sand.u32 $0x1, s1  }
0x8c: {  	s18 =	sshll.u32 s0, $0xA;
	s2 =	sadd.s32 s3, s2  }
0x8d: {  	s2 =	sadd.s32 s2, s18  }
0x8e: {  	[smem:$0x3FC6] =	sst s2  }
0x8f: {  	_ = 	snop  }
0x90: {  	s2 =	sld [smem:$0x3FC9]  }
0x91: {  	s19 =	sld [smem:$0x3FC8]  }
0x92: {  	s4 =	sld [smem:$0x3FD0];
	(tm) =	ssettm $0x1  }
0x93: {  	s5 =	sld [smem:$0x3FFB];
	_ =	sdelay $0x3  }
0x94: {  	_ =	strace s5  }
0x95: {  	s5 =	sld [smem:$0x3FFC];
	_ =	sdelay $0x3  }
0x96: {  	_ =	strace s5  }
0x97: {  	s5 =	sld [smem:$0x3FFD];
	_ =	sdelay $0x3  }
0x98: {  	_ =	strace s5  }
0x99: {  	_ =	strace $0x8FFFFFFF  }
0x9a: {  	s20 =	sld [smem:$0x3FDB];
	_ =	sdelay $0x1  }
0x9b: {  	s6 =	simm.s32 $_scs_section_size  }
0x9c: {  	s7 =	simm.s32 $_size__tile_overlayer_lowered;
	s8 =	simm.s32 $_tile_overlayer_lowered  }
0x9d: {  	s23 =	simm.s32 $0x1BFF;
	s22 =	sshll.u32 s8, $0x1;
	s5 =	sadd.s32 s6, s20  }
0x9e: {  	s9 =	simm.s32 $0x0;
	s21 =	sshll.u32 s7, $0x1;
	s7 =	sadd.s32 s22, s5  }
0x9f: {  	[timem:s9], [sflag:s23] =	dma.local [hbm:s7], s21  }
0xa0: {  	_ =	swait.ge [sflag:s23], s21  }
0xa1: {  	s6 =	ssub.s32 $0x0, s21;
	[sflag:s23] =	ssyncset.done $0x0  }
0xa2: {  	[sflag:s23] =	ssyncadd.s32 s6;
	_ =	sdelay $0x1  }
0xa3: {  	s24 =	simm.s32 $0x1B8B  }
0xa4: {  	_ =	swait.ge [sflag:s24], $0x1  }
0xa5: {  	[sflag:s24] =	ssyncset.done $0x0  }
0xa6: {  	s25 =	simm.s32 $0x1B8E;
	[sflag:s24] =	ssyncadd.s32 $0xFFFFFFFF  }
0xa7: {  	s26 =	simm.s32 $execute0_lowered;
	[smem:$0x3FD2] =	sst s25  }
0xa8: {  	s6 =	sshll.u32 s26, $0x1;
	_ =	strace $0x80000046;
	[dreg:$0x1] =	wrdreg $0xFFFFFFFF  }
0xa9: {  	s28 =	simm.s32 $_size_execute0_lowered;
	s5 =	sadd.s32 s5, s6;
	[dreg:$0x0] =	wrdreg $0x0  }
0xaa: {  	s6 =	sshll.u32 s28, $0x1;
	[dreg:$0x2] =	wrdreg s5  }
0xab: {  	[dreg:$0x3] =	wrdreg s6  }
0xac: {  	[dreg:$0x4] =	wrdreg $0xC0  }
0xad: {  	_ =	task [dreg:s9], $0x5FFFF  }
0xae: {  	[dreg:$0x1] =	wrdreg $0xFFFFFFFF  }
0xaf: {  	[dreg:$0x0] =	wrdreg $0x60  }
0xb0: {  	[dreg:$0x2] =	wrdreg s2  }
0xb1: {  	[dreg:$0x3] =	wrdreg s19  }
0xb2: {  	[dreg:$0x4] =	wrdreg s4  }
0xb3: {  	[dreg:$0x5] =	wrdreg $0x9  }
0xb4: {  	_ =	task.clear_ibuf [dreg:s9], $0x6FFFF;
	_ =	strace $0x90000046  }
0xb5: {  	s29 =	simm.s32 $0x9;
	_ =	strace $0x80000048  }
0xb6: {  	_ =	swait.ge [sflag:s29], $0x1  }
0xb7: {  	[sflag:s29] =	ssyncadd.s32 $0xFFFFFFFF  }
0xb8: {  	_ =	strace $0x90000048  }
0xb9: {  	_ =	sfence  }
0xba: {  	s30 =	sld [smem:$0x0];
	_ =	sdelay $0x2  }
0xbb: {  	s31 =	sshll.u32 s1, $0xD;
	s1 =	sshrl.u32 s1, $0x2  }
0xbc: {  	s3 =	sand.u32 $0x4000, s31;
	s1 =	sadd.s32 s1, s30  }
0xbd: {  	s0 =	sor.u32 s3, s0;
	s1 =	sshll.u32 s1, $0x11  }
0xbe: {  	s0 =	sor.u32 s1, s0  }
0xbf: {  	s0 =	sadd.s32 $0x8F2B, s0  }
0xc0: {  	[sflag:s0] =	ssyncadd.remote.s32 $0x1  }
0xc1: {  	_ =	sfence.sel $0xFFFF  }
0xc2: {  	[dreg:$0x0] =	wrdreg $0xFFFFFFFF;
	(pc) =	sbr.abs _section_cstart, $3  }
0xc3: {  	[dreg:$0x1] =	wrdreg $0xFFFFFFFF  }
0xc4: {  	_ =	task.clear_ibuf [dreg:s9], $0x2FFFF;
	_ =	strace $0x9FFFFFFF  }
0xc5: {  	(tm) =	ssettm $0x7FFFFFFF  }
tec
execute0_lowered:
.L_overlay_start_1:
0x0: {  	(tag) =	ssettag $0x1  }
0x1: {  	s0 =	srdreg.scid;
	s5 =	rddreg [dreg:$0x0]  }
0x2: {  	s10 =	stileid.u32;
	s2 =	rddreg [dreg:$0x1]  }
0x3: {  	s6 =	rddreg [dreg:$0x2];
	s3 =	simm.s32 $0x0;
	s13 =	simm.s32 $0x11100  }
0x4: {  	s14 =	simm.s32 $0x11900;
	s15 =	simm.s32 $0x12100;
	s16 =	simm.s32 $0x12900  }
0x5: {  	s17 =	simm.s32 $0x13100;
	s18 =	simm.s32 $0x13900;
	s19 =	simm.s32 $0x14100  }
0x6: {  	s20 =	simm.s32 $0x14900;
	s21 =	simm.s32 $0x15100;
	s22 =	simm.s32 $0x15900  }
0x7: {  	s23 =	simm.s32 $0x16100;
	s24 =	simm.s32 $0x16900;
	s28 =	simm.s32 $0x18100  }
0x8: {  	s29 =	simm.s32 $0x18900;
	s30 =	simm.s32 $0x19100;
	s31 =	simm.s32 $0x19900  }
0x9: {  	s0 =	sand.u32 $0x1, s0;
	s1 =	sshll.u32 s10, $0x1;
	[smem:$0x7FF] =	sst s3  }
0xa: {  	s9 =	smul.u32 $0x61800, s10;
	p0 =	slt.u32 s10, $0x2;
	s1 =	sor.u32 s0, s1  }
0xb: {  	s7 =	ssub.s32 $0x2, s0;
	_ =	strace $0x80000047;
	s4 =	smul.u32 $0x4E, s1  }
0xc: {  	s0 =	smul.u32 $0x30C00, s0;
	s1 =	smin.u32 s1, $0x4;
	s25 =	sshrl.u32 s7, $0x1  }
0xd: {  	s6 =	sadd.s32 s9, s6;
	s4 =	sadd.s32 s1, s4;
	s1 =	smul.u32 $0xA00, s1  }
.Ltmp0:
0xe: {  	s7 =	ssub.s32 s7, s25;
	s0 =	sadd.s32 s0, s6;
	(pc) =	sbr.rel .LBB2_1-.Ltmp0, $4  }
0xf: {  	s25 =	simm.s32 $0x17100;
	s26 =	smax.u32 s7, $0x1;
	s8 =	smul.u32 $0xA, s4  }
0x10: {  	v2 =	vlaneseq.u32;
	s4 =	simm.s32 $0x4F;
	[dreg:$0x5] =	wrdreg s26;
	s26 =	simm.s32 $0x17900  }
0x11: {  	vm0 =	vmmov $0xffff;
	v1 =	vshrl.u32 v2, $0x3;
	s4 =	simm.s32 @!p0 $0x4E;
	s7 =	sadd.s32 s1, s0;
	s5 =	sadd.s32 s5, s8  }
0x12: {  	v0 =	vand.u32 $0x7, v2;
	v2 =	vor.u32 $0x8, v2;
	v1 =	vmul.u32 $0x8, v1;
	s1 =	simm.s32 $0x1A100;
	[dreg:$0x4] =	wrdreg s5;
	s5 =	simm.s32 $0x0  }
.LBB2_13:
0x13: {  	s5 =	rddreg [dreg:$0x6]  }
0x14: {  	s0 =	rddreg [dreg:$0x5];
	s5 =	sadd.s32 $0x1, s5  }
0x15: {  	p0 =	sne.s32 s5, s0  }
.Ltmp1:
0x16: {  	_ = 	snop;
	(pc) =	sbr.rel @!p0 .LBB2_14-.Ltmp1, $1  }
0x17: {  	_ =	sdelay $0x3  }
.LBB2_1:
0x18: {  	[dreg:$0x6] =	wrdreg s5  }
0x19: {  	s0 =	rddreg [dreg:$0x4];
	s9 =	simm.s32 $0xB  }
0x1a: {  	[tilespmem:s3], [sflag:$0xB] =	stream.linear.gather [hbm4b:s0+s3], $0x18B0, $0x38;
	[tilespmem:$0x1A900] =	vst v63  }
0x1b: {  	_ =	swait.ge [sflag:s9], $0x18B0  }
0x1c: {  	[sflag:s9] =	ssyncset.done $0x0  }
0x1d: {  	[sflag:s9] =	ssyncadd.s32 $0xFFFFE750  }
0x1e: {  	v3 =	vld [tilespmem:$0x0];
	_ =	sdelay $0x4  }
0x1f: {  	v4 =	vshll.u32 v3, $0x1  }
0x20: {  	v3 =	vand.u32 $0x7, v3;
	v4 =	vand.u32 $0xFFFFFFF0, v4  }
0x21: {  	v3 =	vor.u32 v3, v4  }
0x22: {  	v4 =	vperm.xlane v3, v0;
	_ =	sdelay $0x1  }
0x23: {  	v3 =	vperm.xlane v3, v2;
	v4 =	vadd.s32 v1, v4;
	_ =	sdelay $0x1  }
0x24: {  	v3 =	vadd.s32 v1, v3;
	_ =	sdelay $0x1  }
0x25: {  	s10 =	simm.s32 $0x1900  }
0x26: {  	[tilespmem:s10], [sflag:$0x1] =	stream.indirect_vreg.gather [hbm4b:s2+s3], $0x80, v4, vm0, $0xb8;
	[tilespmem:$0x1A900] =	vst v63  }
0x27: {  	s11 =	simm.s32 $0x2100  }
0x28: {  	[tilespmem:s11], [sflag:$0x1] =	stream.indirect_vreg.gather [hbm4b:s2+s3], $0x80, v3, vm0, $0xb8;
	[tilespmem:$0x1A900] =	vst v63  }
0x29: {  	v3 =	vld [tilespmem:$0x10];
	_ =	sdelay $0x4  }
0x2a: {  	v40 =	vshll.u32 v3, $0x1  }
0x2b: {  	v3 =	vand.u32 $0x7, v3;
	v4 =	vand.u32 $0xFFFFFFF0, v40  }
0x2c: {  	v3 =	vor.u32 v3, v4  }
0x2d: {  	v4 =	vperm.xlane v3, v0;
	_ =	sdelay $0x1  }
0x2e: {  	v3 =	vperm.xlane v3, v2;
	v4 =	vadd.s32 v1, v4;
	_ =	sdelay $0x1  }
0x2f: {  	v3 =	vadd.s32 v1, v3;
	_ =	sdelay $0x1  }
0x30: {  	s12 =	simm.s32 $0x2900  }
0x31: {  	[tilespmem:s12], [sflag:$0x1] =	stream.indirect_vreg.gather [hbm4b:s2+s3], $0x80, v4, vm0, $0xb8;
	[tilespmem:$0x1A900] =	vst v63  }
0x32: {  	s5 =	simm.s32 $0x3100  }
0x33: {  	[tilespmem:s5], [sflag:$0x1] =	stream.indirect_vreg.gather [hbm4b:s2+s3], $0x80, v3, vm0, $0xb8;
	[tilespmem:$0x1A900] =	vst v63  }
0x34: {  	v3 =	vld [tilespmem:$0x20];
	_ =	sdelay $0x4  }
0x35: {  	v41 =	vshll.u32 v3, $0x1  }
0x36: {  	v3 =	vand.u32 $0x7, v3;
	v4 =	vand.u32 $0xFFFFFFF0, v41  }
0x37: {  	v3 =	vor.u32 v3, v4  }
0x38: {  	v4 =	vperm.xlane v3, v0;
	_ =	sdelay $0x1  }
0x39: {  	v3 =	vperm.xlane v3, v2;
	v4 =	vadd.s32 v1, v4;
	_ =	sdelay $0x1  }
0x3a: {  	v3 =	vadd.s32 v1, v3;
	_ =	sdelay $0x1  }
0x3b: {  	s6 =	simm.s32 $0x3900  }
0x3c: {  	[tilespmem:s6], [sflag:$0x1] =	stream.indirect_vreg.gather [hbm4b:s2+s3], $0x80, v4, vm0, $0xb8;
	[tilespmem:$0x1A900] =	vst v63  }
0x3d: {  	s8 =	simm.s32 $0x4100  }
0x3e: {  	[tilespmem:s8], [sflag:$0x1] =	stream.indirect_vreg.gather [hbm4b:s2+s3], $0x80, v3, vm0, $0xb8;
	[tilespmem:$0x1A900] =	vst v63  }
0x3f: {  	v3 =	vld [tilespmem:$0x30];
	_ =	sdelay $0x4  }
0x40: {  	v42 =	vshll.u32 v3, $0x1  }
0x41: {  	v3 =	vand.u32 $0x7, v3;
	v4 =	vand.u32 $0xFFFFFFF0, v42  }
0x42: {  	v3 =	vor.u32 v3, v4  }
0x43: {  	v4 =	vperm.xlane v3, v0;
	_ =	sdelay $0x1  }
0x44: {  	v3 =	vperm.xlane v3, v2;
	v4 =	vadd.s32 v1, v4;
	_ =	sdelay $0x1  }
0x45: {  	v3 =	vadd.s32 v1, v3;
	_ =	sdelay $0x1  }
0x46: {  	s9 =	simm.s32 $0x4900  }
0x47: {  	[tilespmem:s9], [sflag:$0x1] =	stream.indirect_vreg.gather [hbm4b:s2+s3], $0x80, v4, vm0, $0xb8;
	[tilespmem:$0x1A900] =	vst v63  }
0x48: {  	s10 =	simm.s32 $0x5100  }
0x49: {  	[tilespmem:s10], [sflag:$0x1] =	stream.indirect_vreg.gather [hbm4b:s2+s3], $0x80, v3, vm0, $0xb8;
	[tilespmem:$0x1A900] =	vst v63  }
0x4a: {  	v3 =	vld [tilespmem:$0x40];
	_ =	sdelay $0x4  }
0x4b: {  	v43 =	vshll.u32 v3, $0x1  }
0x4c: {  	v3 =	vand.u32 $0x7, v3;
	v4 =	vand.u32 $0xFFFFFFF0, v43  }
0x4d: {  	v3 =	vor.u32 v3, v4  }
0x4e: {  	v4 =	vperm.xlane v3, v0;
	_ =	sdelay $0x1  }
0x4f: {  	v3 =	vperm.xlane v3, v2;
	v4 =	vadd.s32 v1, v4;
	_ =	sdelay $0x1  }
0x50: {  	v3 =	vadd.s32 v1, v3;
	_ =	sdelay $0x1  }
0x51: {  	s11 =	simm.s32 $0x5900  }
0x52: {  	[tilespmem:s11], [sflag:$0x1] =	stream.indirect_vreg.gather [hbm4b:s2+s3], $0x80, v4, vm0, $0xb8;
	[tilespmem:$0x1A900] =	vst v63  }
0x53: {  	s12 =	simm.s32 $0x6100  }
0x54: {  	[tilespmem:s12], [sflag:$0x1] =	stream.indirect_vreg.gather [hbm4b:s2+s3], $0x80, v3, vm0, $0xb8;
	[tilespmem:$0x1A900] =	vst v63  }
0x55: {  	v3 =	vld [tilespmem:$0x50];
	_ =	sdelay $0x4  }
0x56: {  	v44 =	vshll.u32 v3, $0x1  }
0x57: {  	v3 =	vand.u32 $0x7, v3;
	v4 =	vand.u32 $0xFFFFFFF0, v44  }
0x58: {  	v3 =	vor.u32 v3, v4  }
0x59: {  	v4 =	vperm.xlane v3, v0;
	_ =	sdelay $0x1  }
0x5a: {  	v3 =	vperm.xlane v3, v2;
	v4 =	vadd.s32 v1, v4;
	_ =	sdelay $0x1  }
0x5b: {  	v3 =	vadd.s32 v1, v3;
	_ =	sdelay $0x1  }
0x5c: {  	s5 =	simm.s32 $0x6900  }
0x5d: {  	[tilespmem:s5], [sflag:$0x2] =	stream.indirect_vreg.gather [hbm4b:s2+s3], $0x80, v4, vm0, $0xb8;
	[tilespmem:$0x1A900] =	vst v63  }
0x5e: {  	s6 =	simm.s32 $0x7100  }
0x5f: {  	[tilespmem:s6], [sflag:$0x2] =	stream.indirect_vreg.gather [hbm4b:s2+s3], $0x80, v3, vm0, $0xb8;
	[tilespmem:$0x1A900] =	vst v63  }
0x60: {  	v3 =	vld [tilespmem:$0x60];
	_ =	sdelay $0x4  }
0x61: {  	v45 =	vshll.u32 v3, $0x1  }
0x62: {  	v3 =	vand.u32 $0x7, v3;
	v4 =	vand.u32 $0xFFFFFFF0, v45  }
0x63: {  	v3 =	vor.u32 v3, v4  }
0x64: {  	v4 =	vperm.xlane v3, v0;
	_ =	sdelay $0x1  }
0x65: {  	v3 =	vperm.xlane v3, v2;
	v4 =	vadd.s32 v1, v4;
	_ =	sdelay $0x1  }
0x66: {  	v3 =	vadd.s32 v1, v3;
	_ =	sdelay $0x1  }
0x67: {  	s8 =	simm.s32 $0x7900  }
0x68: {  	[tilespmem:s8], [sflag:$0x2] =	stream.indirect_vreg.gather [hbm4b:s2+s3], $0x80, v4, vm0, $0xb8;
	[tilespmem:$0x1A900] =	vst v63  }
0x69: {  	s9 =	simm.s32 $0x8100  }
0x6a: {  	[tilespmem:s9], [sflag:$0x2] =	stream.indirect_vreg.gather [hbm4b:s2+s3], $0x80, v3, vm0, $0xb8;
	[tilespmem:$0x1A900] =	vst v63  }
0x6b: {  	v3 =	vld [tilespmem:$0x70];
	_ =	sdelay $0x4  }
0x6c: {  	v46 =	vshll.u32 v3, $0x1  }
0x6d: {  	v3 =	vand.u32 $0x7, v3;
	v4 =	vand.u32 $0xFFFFFFF0, v46  }
0x6e: {  	v3 =	vor.u32 v3, v4  }
0x6f: {  	v4 =	vperm.xlane v3, v0;
	_ =	sdelay $0x1  }
0x70: {  	v3 =	vperm.xlane v3, v2;
	v4 =	vadd.s32 v1, v4;
	_ =	sdelay $0x1  }
0x71: {  	v3 =	vadd.s32 v1, v3;
	_ =	sdelay $0x1  }
0x72: {  	s10 =	simm.s32 $0x8900  }
0x73: {  	[tilespmem:s10], [sflag:$0x2] =	stream.indirect_vreg.gather [hbm4b:s2+s3], $0x80, v4, vm0, $0xb8;
	[tilespmem:$0x1A900] =	vst v63  }
0x74: {  	s11 =	simm.s32 $0x9100  }
0x75: {  	[tilespmem:s11], [sflag:$0x2] =	stream.indirect_vreg.gather [hbm4b:s2+s3], $0x80, v3, vm0, $0xb8;
	[tilespmem:$0x1A900] =	vst v63  }
0x76: {  	v3 =	vld [tilespmem:$0x80];
	_ =	sdelay $0x4  }
0x77: {  	v47 =	vshll.u32 v3, $0x1  }
0x78: {  	v3 =	vand.u32 $0x7, v3;
	v4 =	vand.u32 $0xFFFFFFF0, v47  }
0x79: {  	v3 =	vor.u32 v3, v4  }
0x7a: {  	v4 =	vperm.xlane v3, v0;
	_ =	sdelay $0x1  }
0x7b: {  	v3 =	vperm.xlane v3, v2;
	v4 =	vadd.s32 v1, v4;
	_ =	sdelay $0x1  }
0x7c: {  	v3 =	vadd.s32 v1, v3;
	_ =	sdelay $0x1  }
0x7d: {  	s12 =	simm.s32 $0x9900  }
0x7e: {  	[tilespmem:s12], [sflag:$0x2] =	stream.indirect_vreg.gather [hbm4b:s2+s3], $0x80, v4, vm0, $0xb8;
	[tilespmem:$0x1A900] =	vst v63  }
0x7f: {  	s5 =	simm.s32 $0xA100  }
0x80: {  	[tilespmem:s5], [sflag:$0x2] =	stream.indirect_vreg.gather [hbm4b:s2+s3], $0x80, v3, vm0, $0xb8;
	[tilespmem:$0x1A900] =	vst v63  }
0x81: {  	v3 =	vld [tilespmem:$0x90];
	_ =	sdelay $0x4  }
0x82: {  	v48 =	vshll.u32 v3, $0x1  }
0x83: {  	v3 =	vand.u32 $0x7, v3;
	v4 =	vand.u32 $0xFFFFFFF0, v48  }
0x84: {  	v3 =	vor.u32 v3, v4  }
0x85: {  	v4 =	vperm.xlane v3, v0;
	_ =	sdelay $0x1  }
0x86: {  	v3 =	vperm.xlane v3, v2;
	v4 =	vadd.s32 v1, v4;
	_ =	sdelay $0x1  }
0x87: {  	v3 =	vadd.s32 v1, v3;
	_ =	sdelay $0x1  }
0x88: {  	s6 =	simm.s32 $0xA900  }
0x89: {  	[tilespmem:s6], [sflag:$0x2] =	stream.indirect_vreg.gather [hbm4b:s2+s3], $0x80, v4, vm0, $0xb8;
	[tilespmem:$0x1A900] =	vst v63  }
0x8a: {  	s8 =	simm.s32 $0xB100  }
0x8b: {  	[tilespmem:s8], [sflag:$0x2] =	stream.indirect_vreg.gather [hbm4b:s2+s3], $0x80, v3, vm0, $0xb8;
	[tilespmem:$0x1A900] =	vst v63  }
0x8c: {  	v3 =	vld [tilespmem:$0xA0];
	_ =	sdelay $0x4  }
0x8d: {  	v49 =	vshll.u32 v3, $0x1  }
0x8e: {  	v3 =	vand.u32 $0x7, v3;
	v4 =	vand.u32 $0xFFFFFFF0, v49  }
0x8f: {  	v3 =	vor.u32 v3, v4  }
0x90: {  	v4 =	vperm.xlane v3, v0;
	_ =	sdelay $0x1  }
0x91: {  	v3 =	vperm.xlane v3, v2;
	v4 =	vadd.s32 v1, v4;
	_ =	sdelay $0x1  }
0x92: {  	v3 =	vadd.s32 v1, v3;
	_ =	sdelay $0x1  }
0x93: {  	s9 =	simm.s32 $0xB900  }
0x94: {  	[tilespmem:s9], [sflag:$0x3] =	stream.indirect_vreg.gather [hbm4b:s2+s3], $0x80, v4, vm0, $0xb8;
	[tilespmem:$0x1A900] =	vst v63  }
0x95: {  	s10 =	simm.s32 $0xC100  }
0x96: {  	[tilespmem:s10], [sflag:$0x3] =	stream.indirect_vreg.gather [hbm4b:s2+s3], $0x80, v3, vm0, $0xb8;
	[tilespmem:$0x1A900] =	vst v63  }
0x97: {  	v3 =	vld [tilespmem:$0xB0];
	_ =	sdelay $0x4  }
0x98: {  	v50 =	vshll.u32 v3, $0x1  }
0x99: {  	v3 =	vand.u32 $0x7, v3;
	v4 =	vand.u32 $0xFFFFFFF0, v50  }
0x9a: {  	v3 =	vor.u32 v3, v4  }
0x9b: {  	v4 =	vperm.xlane v3, v0;
	_ =	sdelay $0x1  }
0x9c: {  	v3 =	vperm.xlane v3, v2;
	v4 =	vadd.s32 v1, v4;
	_ =	sdelay $0x1  }
0x9d: {  	v3 =	vadd.s32 v1, v3;
	_ =	sdelay $0x1  }
0x9e: {  	s11 =	simm.s32 $0xC900  }
0x9f: {  	[tilespmem:s11], [sflag:$0x3] =	stream.indirect_vreg.gather [hbm4b:s2+s3], $0x80, v4, vm0, $0xb8;
	[tilespmem:$0x1A900] =	vst v63  }
0xa0: {  	s12 =	simm.s32 $0xD100  }
0xa1: {  	[tilespmem:s12], [sflag:$0x3] =	stream.indirect_vreg.gather [hbm4b:s2+s3], $0x80, v3, vm0, $0xb8;
	[tilespmem:$0x1A900] =	vst v63  }
0xa2: {  	v3 =	vld [tilespmem:$0xC0];
	_ =	sdelay $0x4  }
0xa3: {  	v51 =	vshll.u32 v3, $0x1  }
0xa4: {  	v3 =	vand.u32 $0x7, v3;
	v4 =	vand.u32 $0xFFFFFFF0, v51  }
0xa5: {  	v3 =	vor.u32 v3, v4  }
0xa6: {  	v4 =	vperm.xlane v3, v0;
	_ =	sdelay $0x1  }
0xa7: {  	v3 =	vperm.xlane v3, v2;
	v4 =	vadd.s32 v1, v4;
	_ =	sdelay $0x1  }
0xa8: {  	v3 =	vadd.s32 v1, v3;
	_ =	sdelay $0x1  }
0xa9: {  	s5 =	simm.s32 $0xD900  }
0xaa: {  	[tilespmem:s5], [sflag:$0x3] =	stream.indirect_vreg.gather [hbm4b:s2+s3], $0x80, v4, vm0, $0xb8;
	[tilespmem:$0x1A900] =	vst v63  }
0xab: {  	s6 =	simm.s32 $0xE100  }
0xac: {  	[tilespmem:s6], [sflag:$0x3] =	stream.indirect_vreg.gather [hbm4b:s2+s3], $0x80, v3, vm0, $0xb8;
	[tilespmem:$0x1A900] =	vst v63  }
0xad: {  	v3 =	vld [tilespmem:$0xD0];
	_ =	sdelay $0x4  }
0xae: {  	v52 =	vshll.u32 v3, $0x1  }
0xaf: {  	v3 =	vand.u32 $0x7, v3;
	v4 =	vand.u32 $0xFFFFFFF0, v52  }
0xb0: {  	v3 =	vor.u32 v3, v4  }
0xb1: {  	v4 =	vperm.xlane v3, v0;
	_ =	sdelay $0x1  }
0xb2: {  	v3 =	vperm.xlane v3, v2;
	v4 =	vadd.s32 v1, v4;
	_ =	sdelay $0x1  }
0xb3: {  	v3 =	vadd.s32 v1, v3;
	_ =	sdelay $0x1  }
0xb4: {  	s8 =	simm.s32 $0xE900  }
0xb5: {  	[tilespmem:s8], [sflag:$0x3] =	stream.indirect_vreg.gather [hbm4b:s2+s3], $0x80, v4, vm0, $0xb8;
	[tilespmem:$0x1A900] =	vst v63  }
0xb6: {  	s9 =	simm.s32 $0xF100  }
0xb7: {  	[tilespmem:s9], [sflag:$0x3] =	stream.indirect_vreg.gather [hbm4b:s2+s3], $0x80, v3, vm0, $0xb8;
	[tilespmem:$0x1A900] =	vst v63  }
0xb8: {  	v3 =	vld [tilespmem:$0xE0];
	_ =	sdelay $0x4  }
0xb9: {  	v53 =	vshll.u32 v3, $0x1  }
0xba: {  	v3 =	vand.u32 $0x7, v3;
	v4 =	vand.u32 $0xFFFFFFF0, v53  }
0xbb: {  	v3 =	vor.u32 v3, v4  }
0xbc: {  	v4 =	vperm.xlane v3, v0;
	_ =	sdelay $0x1  }
0xbd: {  	v3 =	vperm.xlane v3, v2;
	v4 =	vadd.s32 v1, v4;
	_ =	sdelay $0x1  }
0xbe: {  	v3 =	vadd.s32 v1, v3;
	_ =	sdelay $0x1  }
0xbf: {  	s10 =	simm.s32 $0xF900  }
0xc0: {  	[tilespmem:s10], [sflag:$0x3] =	stream.indirect_vreg.gather [hbm4b:s2+s3], $0x80, v4, vm0, $0xb8;
	[tilespmem:$0x1A900] =	vst v63  }
0xc1: {  	s11 =	simm.s32 $0x10100  }
0xc2: {  	[tilespmem:s11], [sflag:$0x3] =	stream.indirect_vreg.gather [hbm4b:s2+s3], $0x80, v3, vm0, $0xb8;
	[tilespmem:$0x1A900] =	vst v63  }
0xc3: {  	v3 =	vld [tilespmem:$0xF0];
	_ =	sdelay $0x4  }
0xc4: {  	v54 =	vshll.u32 v3, $0x1  }
0xc5: {  	v3 =	vand.u32 $0x7, v3;
	v4 =	vand.u32 $0xFFFFFFF0, v54  }
0xc6: {  	v3 =	vor.u32 v3, v4  }
0xc7: {  	v4 =	vperm.xlane v3, v0;
	_ =	sdelay $0x1  }
0xc8: {  	v3 =	vperm.xlane v3, v2;
	v4 =	vadd.s32 v1, v4;
	_ =	sdelay $0x1  }
0xc9: {  	v3 =	vadd.s32 v1, v3;
	_ =	sdelay $0x1  }
0xca: {  	s12 =	simm.s32 $0x10900  }
0xcb: {  	[tilespmem:s12], [sflag:$0x4] =	stream.indirect_vreg.gather [hbm4b:s2+s3], $0x80, v4, vm0, $0xb8;
	[tilespmem:$0x1A900] =	vst v63  }
0xcc: {  	_ = 	snop  }
0xcd: {  	[tilespmem:s13], [sflag:$0x4] =	stream.indirect_vreg.gather [hbm4b:s2+s3], $0x80, v3, vm0, $0xb8;
	[tilespmem:$0x1A900] =	vst v63  }
0xce: {  	v3 =	vld [tilespmem:$0x100];
	_ =	sdelay $0x4  }
0xcf: {  	v55 =	vshll.u32 v3, $0x1  }
0xd0: {  	v3 =	vand.u32 $0x7, v3;
	v4 =	vand.u32 $0xFFFFFFF0, v55  }
0xd1: {  	v3 =	vor.u32 v3, v4  }
0xd2: {  	v4 =	vperm.xlane v3, v0;
	_ =	sdelay $0x1  }
0xd3: {  	v3 =	vperm.xlane v3, v2;
	v4 =	vadd.s32 v1, v4;
	_ =	sdelay $0x1  }
0xd4: {  	v3 =	vadd.s32 v1, v3;
	_ =	sdelay $0x2  }
0xd5: {  	[tilespmem:s14], [sflag:$0x4] =	stream.indirect_vreg.gather [hbm4b:s2+s3], $0x80, v4, vm0, $0xb8;
	[tilespmem:$0x1A900] =	vst v63  }
0xd6: {  	_ = 	snop  }
0xd7: {  	[tilespmem:s15], [sflag:$0x4] =	stream.indirect_vreg.gather [hbm4b:s2+s3], $0x80, v3, vm0, $0xb8;
	[tilespmem:$0x1A900] =	vst v63  }
0xd8: {  	v3 =	vld [tilespmem:$0x110];
	_ =	sdelay $0x4  }
0xd9: {  	v56 =	vshll.u32 v3, $0x1  }
0xda: {  	v3 =	vand.u32 $0x7, v3;
	v4 =	vand.u32 $0xFFFFFFF0, v56  }
0xdb: {  	v3 =	vor.u32 v3, v4  }
0xdc: {  	v4 =	vperm.xlane v3, v0;
	_ =	sdelay $0x1  }
0xdd: {  	v3 =	vperm.xlane v3, v2;
	v4 =	vadd.s32 v1, v4;
	_ =	sdelay $0x1  }
0xde: {  	v3 =	vadd.s32 v1, v3;
	_ =	sdelay $0x2  }
0xdf: {  	[tilespmem:s16], [sflag:$0x4] =	stream.indirect_vreg.gather [hbm4b:s2+s3], $0x80, v4, vm0, $0xb8;
	[tilespmem:$0x1A900] =	vst v63  }
0xe0: {  	_ = 	snop  }
0xe1: {  	[tilespmem:s17], [sflag:$0x4] =	stream.indirect_vreg.gather [hbm4b:s2+s3], $0x80, v3, vm0, $0xb8;
	[tilespmem:$0x1A900] =	vst v63  }
0xe2: {  	v3 =	vld [tilespmem:$0x120];
	_ =	sdelay $0x4  }
0xe3: {  	v57 =	vshll.u32 v3, $0x1  }
0xe4: {  	v3 =	vand.u32 $0x7, v3;
	v4 =	vand.u32 $0xFFFFFFF0, v57  }
0xe5: {  	v3 =	vor.u32 v3, v4  }
0xe6: {  	v4 =	vperm.xlane v3, v0;
	_ =	sdelay $0x1  }
0xe7: {  	v3 =	vperm.xlane v3, v2;
	v4 =	vadd.s32 v1, v4;
	_ =	sdelay $0x1  }
0xe8: {  	v3 =	vadd.s32 v1, v3;
	_ =	sdelay $0x2  }
0xe9: {  	[tilespmem:s18], [sflag:$0x4] =	stream.indirect_vreg.gather [hbm4b:s2+s3], $0x80, v4, vm0, $0xb8;
	[tilespmem:$0x1A900] =	vst v63  }
0xea: {  	_ = 	snop  }
0xeb: {  	[tilespmem:s19], [sflag:$0x4] =	stream.indirect_vreg.gather [hbm4b:s2+s3], $0x80, v3, vm0, $0xb8;
	[tilespmem:$0x1A900] =	vst v63  }
0xec: {  	v3 =	vld [tilespmem:$0x130];
	_ =	sdelay $0x4  }
0xed: {  	v58 =	vshll.u32 v3, $0x1  }
0xee: {  	v3 =	vand.u32 $0x7, v3;
	v4 =	vand.u32 $0xFFFFFFF0, v58  }
0xef: {  	v3 =	vor.u32 v3, v4  }
0xf0: {  	v4 =	vperm.xlane v3, v0;
	_ =	sdelay $0x1  }
0xf1: {  	v3 =	vperm.xlane v3, v2;
	v4 =	vadd.s32 v1, v4;
	_ =	sdelay $0x1  }
0xf2: {  	v3 =	vadd.s32 v1, v3;
	_ =	sdelay $0x2  }
0xf3: {  	[tilespmem:s20], [sflag:$0x4] =	stream.indirect_vreg.gather [hbm4b:s2+s3], $0x80, v4, vm0, $0xb8;
	[tilespmem:$0x1A900] =	vst v63  }
0xf4: {  	_ = 	snop  }
0xf5: {  	[tilespmem:s21], [sflag:$0x4] =	stream.indirect_vreg.gather [hbm4b:s2+s3], $0x80, v3, vm0, $0xb8;
	[tilespmem:$0x1A900] =	vst v63  }
0xf6: {  	v3 =	vld [tilespmem:$0x140];
	_ =	sdelay $0x4  }
0xf7: {  	v59 =	vshll.u32 v3, $0x1  }
0xf8: {  	v3 =	vand.u32 $0x7, v3;
	v4 =	vand.u32 $0xFFFFFFF0, v59  }
0xf9: {  	v3 =	vor.u32 v3, v4  }
0xfa: {  	v4 =	vperm.xlane v3, v0;
	_ =	sdelay $0x1  }
0xfb: {  	v3 =	vperm.xlane v3, v2;
	v4 =	vadd.s32 v1, v4;
	_ =	sdelay $0x1  }
0xfc: {  	v3 =	vadd.s32 v1, v3;
	_ =	sdelay $0x2  }
0xfd: {  	[tilespmem:s22], [sflag:$0x5] =	stream.indirect_vreg.gather [hbm4b:s2+s3], $0x80, v4, vm0, $0xb8;
	[tilespmem:$0x1A900] =	vst v63  }
0xfe: {  	_ = 	snop  }
0xff: {  	[tilespmem:s23], [sflag:$0x5] =	stream.indirect_vreg.gather [hbm4b:s2+s3], $0x80, v3, vm0, $0xb8;
	[tilespmem:$0x1A900] =	vst v63  }
0x100: {  	v3 =	vld [tilespmem:$0x150];
	_ =	sdelay $0x4  }
0x101: {  	v60 =	vshll.u32 v3, $0x1  }
0x102: {  	v3 =	vand.u32 $0x7, v3;
	v4 =	vand.u32 $0xFFFFFFF0, v60  }
0x103: {  	v3 =	vor.u32 v3, v4  }
0x104: {  	v4 =	vperm.xlane v3, v0;
	_ =	sdelay $0x1  }
0x105: {  	v3 =	vperm.xlane v3, v2;
	v4 =	vadd.s32 v1, v4;
	_ =	sdelay $0x1  }
0x106: {  	v3 =	vadd.s32 v1, v3;
	_ =	sdelay $0x2  }
0x107: {  	[tilespmem:s24], [sflag:$0x5] =	stream.indirect_vreg.gather [hbm4b:s2+s3], $0x80, v4, vm0, $0xb8;
	[tilespmem:$0x1A900] =	vst v63  }
0x108: {  	_ = 	snop  }
0x109: {  	[tilespmem:s25], [sflag:$0x5] =	stream.indirect_vreg.gather [hbm4b:s2+s3], $0x80, v3, vm0, $0xb8;
	[tilespmem:$0x1A900] =	vst v63  }
0x10a: {  	v3 =	vld [tilespmem:$0x160];
	_ =	sdelay $0x4  }
0x10b: {  	v61 =	vshll.u32 v3, $0x1  }
0x10c: {  	v3 =	vand.u32 $0x7, v3;
	v4 =	vand.u32 $0xFFFFFFF0, v61  }
0x10d: {  	v3 =	vor.u32 v3, v4  }
0x10e: {  	v4 =	vperm.xlane v3, v0;
	_ =	sdelay $0x1  }
0x10f: {  	v3 =	vperm.xlane v3, v2;
	v4 =	vadd.s32 v1, v4;
	_ =	sdelay $0x1  }
0x110: {  	v3 =	vadd.s32 v1, v3;
	_ =	sdelay $0x2  }
0x111: {  	[tilespmem:s26], [sflag:$0x5] =	stream.indirect_vreg.gather [hbm4b:s2+s3], $0x80, v4, vm0, $0xb8;
	[tilespmem:$0x1A900] =	vst v63  }
0x112: {  	_ = 	snop  }
0x113: {  	[tilespmem:s28], [sflag:$0x5] =	stream.indirect_vreg.gather [hbm4b:s2+s3], $0x80, v3, vm0, $0xb8;
	[tilespmem:$0x1A900] =	vst v63  }
0x114: {  	v3 =	vld [tilespmem:$0x170];
	_ =	sdelay $0x4  }
0x115: {  	v62 =	vshll.u32 v3, $0x1  }
0x116: {  	v3 =	vand.u32 $0x7, v3;
	v4 =	vand.u32 $0xFFFFFFF0, v62  }
0x117: {  	v3 =	vor.u32 v3, v4  }
0x118: {  	v4 =	vperm.xlane v3, v0;
	_ =	sdelay $0x1  }
0x119: {  	v3 =	vperm.xlane v3, v2;
	v4 =	vadd.s32 v1, v4;
	_ =	sdelay $0x1  }
0x11a: {  	v3 =	vadd.s32 v1, v3;
	_ =	sdelay $0x2  }
0x11b: {  	[tilespmem:s29], [sflag:$0x5] =	stream.indirect_vreg.gather [hbm4b:s2+s3], $0x80, v4, vm0, $0xb8;
	[tilespmem:$0x1A900] =	vst v63  }
0x11c: {  	_ = 	snop  }
0x11d: {  	[tilespmem:s30], [sflag:$0x5] =	stream.indirect_vreg.gather [hbm4b:s2+s3], $0x80, v3, vm0, $0xb8;
	[tilespmem:$0x1A900] =	vst v63  }
0x11e: {  	v3 =	vld [tilespmem:$0x180];
	_ =	sdelay $0x4  }
0x11f: {  	v63 =	vshll.u32 v3, $0x1  }
0x120: {  	v3 =	vand.u32 $0x7, v3;
	v4 =	vand.u32 $0xFFFFFFF0, v63  }
0x121: {  	v3 =	vor.u32 v3, v4  }
0x122: {  	v4 =	vperm.xlane v3, v0;
	_ =	sdelay $0x1  }
0x123: {  	v3 =	vperm.xlane v3, v2;
	v4 =	vadd.s32 v1, v4;
	_ =	sdelay $0x1  }
0x124: {  	v3 =	vadd.s32 v1, v3  }
.Ltmp2:
0x125: {  	_ = 	snop;
	(pc) =	sbr.rel .LBB2_2-.Ltmp2, $4  }
0x126: {  	_ = 	snop  }
0x127: {  	[tilespmem:s31], [sflag:$0x5] =	stream.indirect_vreg.gather [hbm4b:s2+s3], $0x80, v4, vm0, $0xb8;
	[tilespmem:$0x1A900] =	vst v63  }
0x128: {  	s0 =	simm.s32 $0x7;
	s5 =	simm.s32 $0x140;
	s6 =	simm.s32 $0x0  }
0x129: {  	[tilespmem:s1], [sflag:$0x5] =	stream.indirect_vreg.gather [hbm4b:s2+s3], $0x80, v3, vm0, $0xb8;
	[tilespmem:$0x1A900] =	vst v63  }
.LBB2_12:
0x12a: {  	s0 =	sadd.s32 $0x5, s0  }
0x12b: {  	p0 =	sne.s32 s0, $0x5C  }
.Ltmp3:
0x12c: {  	_ = 	snop;
	(pc) =	sbr.rel @!p0 .LBB2_13-.Ltmp3, $2  }
0x12d: {  	_ =	sdelay $0x2  }
0x12e: {  	s6 =	sadd.s32 $0x3200, s6;
	s5 =	sadd.s32 $0x190, s5  }
.LBB2_2:
0x12f: {  	s8 =	sadd.s32 $0xFFFFFFF9, s0  }
0x130: {  	p0 =	sge.u32 s8, s4  }
0x131: {  	s8 =	simm.s32 @!p0 $0x1  }
0x132: {  	_ =	swait.ge @!p0 [sflag:s8], $0x5000  }
0x133: {  	s9 =	simm.s32 @!p0 $0x0;
	[sflag:s8] =	ssyncset.done @!p0 $0x0  }
0x134: {  	s10 =	simm.s32 @!p0 $0x1900;
	[sflag:s8] =	ssyncadd.s32 @!p0 $0xFFFFB000;
	s8 =	sadd.s32 @!p0 s6, s7  }
0x135: {  	[hbm4b:s8+s9] =	stream.linear.scatter @!p0 [tilespmem:s10], [sflag:$0x6], $0x5000, $0x38;
	[tilespmem:$0x1A900] =	vst v63  }
0x136: {  	p2 =	seq.s32 s0, $0x7;
	s8 =	sadd.s32 $0xFFFFFFFC, s0  }
0x137: {  	p3 =	sge.u32 @!p2 s8, s4  }
0x138: {  	s12 =	sadd.s32 $0xFFFFFFF7, s0;
	p3 =	por p2, p3  }
.Ltmp4:
0x139: {  	p1 =	sge.u32 s12, s4;
	(pc) =	sbr.rel @p3 .LBB2_4-.Ltmp4, $4  }
0x13a: {  	s9 =	simm.s32 @!p1 $0x9  }
0x13b: {  	_ =	swait.ge @!p1 [sflag:s9], $0x5000  }
0x13c: {  	[sflag:s9] =	ssyncset.done @!p1 $0x0  }
0x13d: {  	[sflag:s9] =	ssyncadd.s32 @!p1 $0xFFFFB000  }
0x13e: {  	v3 =	vld [tilespmem:s5+$0xFFFFFFB0];
	_ =	sdelay $0x4  }
0x13f: {  	v4 =	vshll.u32 v3, $0x1  }
0x140: {  	v3 =	vand.u32 $0x7, v3;
	v4 =	vand.u32 $0xFFFFFFF0, v4  }
0x141: {  	v3 =	vor.u32 v3, v4  }
0x142: {  	v4 =	vperm.xlane v3, v0;
	_ =	sdelay $0x1  }
0x143: {  	v3 =	vperm.xlane v3, v2;
	v4 =	vadd.s32 v1, v4;
	_ =	sdelay $0x1  }
0x144: {  	v3 =	vadd.s32 v1, v3;
	_ =	sdelay $0x1  }
0x145: {  	s9 =	simm.s32 $0x10900  }
0x146: {  	[tilespmem:s9], [sflag:$0x4] =	stream.indirect_vreg.gather [hbm4b:s2+s3], $0x80, v4, vm0, $0xb8;
	[tilespmem:$0x1A900] =	vst v63  }
0x147: {  	_ = 	snop  }
0x148: {  	[tilespmem:s13], [sflag:$0x4] =	stream.indirect_vreg.gather [hbm4b:s2+s3], $0x80, v3, vm0, $0xb8;
	[tilespmem:$0x1A900] =	vst v63  }
0x149: {  	v3 =	vld [tilespmem:s5+$0xFFFFFFC0];
	_ =	sdelay $0x4  }
0x14a: {  	v60 =	vshll.u32 v3, $0x1  }
0x14b: {  	v3 =	vand.u32 $0x7, v3;
	v4 =	vand.u32 $0xFFFFFFF0, v60  }
0x14c: {  	v3 =	vor.u32 v3, v4  }
0x14d: {  	v4 =	vperm.xlane v3, v0;
	_ =	sdelay $0x1  }
0x14e: {  	v3 =	vperm.xlane v3, v2;
	v4 =	vadd.s32 v1, v4;
	_ =	sdelay $0x1  }
0x14f: {  	v3 =	vadd.s32 v1, v3;
	_ =	sdelay $0x2  }
0x150: {  	[tilespmem:s14], [sflag:$0x4] =	stream.indirect_vreg.gather [hbm4b:s2+s3], $0x80, v4, vm0, $0xb8;
	[tilespmem:$0x1A900] =	vst v63  }
0x151: {  	_ = 	snop  }
0x152: {  	[tilespmem:s15], [sflag:$0x4] =	stream.indirect_vreg.gather [hbm4b:s2+s3], $0x80, v3, vm0, $0xb8;
	[tilespmem:$0x1A900] =	vst v63  }
0x153: {  	v3 =	vld [tilespmem:s5+$0xFFFFFFD0];
	_ =	sdelay $0x4  }
0x154: {  	v61 =	vshll.u32 v3, $0x1  }
0x155: {  	v3 =	vand.u32 $0x7, v3;
	v4 =	vand.u32 $0xFFFFFFF0, v61  }
0x156: {  	v3 =	vor.u32 v3, v4  }
0x157: {  	v4 =	vperm.xlane v3, v0;
	_ =	sdelay $0x1  }
0x158: {  	v3 =	vperm.xlane v3, v2;
	v4 =	vadd.s32 v1, v4;
	_ =	sdelay $0x1  }
0x159: {  	v3 =	vadd.s32 v1, v3;
	_ =	sdelay $0x2  }
0x15a: {  	[tilespmem:s16], [sflag:$0x4] =	stream.indirect_vreg.gather [hbm4b:s2+s3], $0x80, v4, vm0, $0xb8;
	[tilespmem:$0x1A900] =	vst v63  }
0x15b: {  	_ = 	snop  }
0x15c: {  	[tilespmem:s17], [sflag:$0x4] =	stream.indirect_vreg.gather [hbm4b:s2+s3], $0x80, v3, vm0, $0xb8;
	[tilespmem:$0x1A900] =	vst v63  }
0x15d: {  	v3 =	vld [tilespmem:s5+$0xFFFFFFE0];
	_ =	sdelay $0x4  }
0x15e: {  	v62 =	vshll.u32 v3, $0x1  }
0x15f: {  	v3 =	vand.u32 $0x7, v3;
	v4 =	vand.u32 $0xFFFFFFF0, v62  }
0x160: {  	v3 =	vor.u32 v3, v4  }
0x161: {  	v4 =	vperm.xlane v3, v0;
	_ =	sdelay $0x1  }
0x162: {  	v3 =	vperm.xlane v3, v2;
	v4 =	vadd.s32 v1, v4;
	_ =	sdelay $0x1  }
0x163: {  	v3 =	vadd.s32 v1, v3;
	_ =	sdelay $0x2  }
0x164: {  	[tilespmem:s18], [sflag:$0x4] =	stream.indirect_vreg.gather [hbm4b:s2+s3], $0x80, v4, vm0, $0xb8;
	[tilespmem:$0x1A900] =	vst v63  }
0x165: {  	_ = 	snop  }
0x166: {  	[tilespmem:s19], [sflag:$0x4] =	stream.indirect_vreg.gather [hbm4b:s2+s3], $0x80, v3, vm0, $0xb8;
	[tilespmem:$0x1A900] =	vst v63  }
0x167: {  	v3 =	vld [tilespmem:s5+$0xFFFFFFF0];
	_ =	sdelay $0x4  }
0x168: {  	v63 =	vshll.u32 v3, $0x1  }
0x169: {  	v3 =	vand.u32 $0x7, v3;
	v4 =	vand.u32 $0xFFFFFFF0, v63  }
0x16a: {  	v3 =	vor.u32 v3, v4  }
0x16b: {  	v4 =	vperm.xlane v3, v0;
	_ =	sdelay $0x1  }
0x16c: {  	v3 =	vperm.xlane v3, v2;
	v4 =	vadd.s32 v1, v4;
	_ =	sdelay $0x1  }
0x16d: {  	v3 =	vadd.s32 v1, v3;
	_ =	sdelay $0x2  }
0x16e: {  	[tilespmem:s20], [sflag:$0x4] =	stream.indirect_vreg.gather [hbm4b:s2+s3], $0x80, v4, vm0, $0xb8;
	[tilespmem:$0x1A900] =	vst v63  }
0x16f: {  	_ = 	snop  }
0x170: {  	[tilespmem:s21], [sflag:$0x4] =	stream.indirect_vreg.gather [hbm4b:s2+s3], $0x80, v3, vm0, $0xb8;
	[tilespmem:$0x1A900] =	vst v63  }
.LBB2_4:
0x171: {  	s9 =	sadd.s32 $0xFFFFFFFA, s0  }
0x172: {  	p1 =	sge.u32 s9, s4  }
0x173: {  	s9 =	simm.s32 @!p1 $0x2  }
0x174: {  	_ =	swait.ge @!p1 [sflag:s9], $0x5000  }
0x175: {  	[sflag:s9] =	ssyncset.done @!p1 $0x0  }
0x176: {  	[sflag:s9] =	ssyncadd.s32 @!p1 $0xFFFFB000;
	s9 =	sadd.s32 @!p1 s6, s7  }
0x177: {  	s10 =	simm.s32 @!p1 $0x0;
	s11 =	simm.s32 @!p1 $0x6900;
	s9 =	sadd.s32 @!p1 $0xA00, s9  }
0x178: {  	[hbm4b:s9+s10] =	stream.linear.scatter @!p1 [tilespmem:s11], [sflag:$0x7], $0x5000, $0x38;
	[tilespmem:$0x1A900] =	vst v63  }
0x179: {  	s9 =	sadd.s32 $0xFFFFFFFD, s0  }
0x17a: {  	p4 =	sge.u32 @!p2 s9, s4  }
0x17b: {  	s12 =	sadd.s32 $0xFFFFFFF8, s0;
	p2 =	por p2, p4  }
.Ltmp5:
0x17c: {  	p3 =	sge.u32 s12, s4;
	(pc) =	sbr.rel @p2 .LBB2_6-.Ltmp5, $4  }
0x17d: {  	s10 =	simm.s32 @!p3 $0xA  }
0x17e: {  	_ =	swait.ge @!p3 [sflag:s10], $0x5000  }
0x17f: {  	[sflag:s10] =	ssyncset.done @!p3 $0x0  }
0x180: {  	[sflag:s10] =	ssyncadd.s32 @!p3 $0xFFFFB000  }
0x181: {  	v3 =	vld [tilespmem:s5+$0x0];
	_ =	sdelay $0x4  }
0x182: {  	v4 =	vshll.u32 v3, $0x1  }
0x183: {  	v3 =	vand.u32 $0x7, v3;
	v4 =	vand.u32 $0xFFFFFFF0, v4  }
0x184: {  	v3 =	vor.u32 v3, v4  }
0x185: {  	v4 =	vperm.xlane v3, v0;
	_ =	sdelay $0x1  }
0x186: {  	v3 =	vperm.xlane v3, v2;
	v4 =	vadd.s32 v1, v4;
	_ =	sdelay $0x1  }
0x187: {  	v3 =	vadd.s32 v1, v3;
	_ =	sdelay $0x2  }
0x188: {  	[tilespmem:s22], [sflag:$0x5] =	stream.indirect_vreg.gather [hbm4b:s2+s3], $0x80, v4, vm0, $0xb8;
	[tilespmem:$0x1A900] =	vst v63  }
0x189: {  	_ = 	snop  }
0x18a: {  	[tilespmem:s23], [sflag:$0x5] =	stream.indirect_vreg.gather [hbm4b:s2+s3], $0x80, v3, vm0, $0xb8;
	[tilespmem:$0x1A900] =	vst v63  }
0x18b: {  	v3 =	vld [tilespmem:s5+$0x10];
	_ =	sdelay $0x4  }
0x18c: {  	v60 =	vshll.u32 v3, $0x1  }
0x18d: {  	v3 =	vand.u32 $0x7, v3;
	v4 =	vand.u32 $0xFFFFFFF0, v60  }
0x18e: {  	v3 =	vor.u32 v3, v4  }
0x18f: {  	v4 =	vperm.xlane v3, v0;
	_ =	sdelay $0x1  }
0x190: {  	v3 =	vperm.xlane v3, v2;
	v4 =	vadd.s32 v1, v4;
	_ =	sdelay $0x1  }
0x191: {  	v3 =	vadd.s32 v1, v3;
	_ =	sdelay $0x2  }
0x192: {  	[tilespmem:s24], [sflag:$0x5] =	stream.indirect_vreg.gather [hbm4b:s2+s3], $0x80, v4, vm0, $0xb8;
	[tilespmem:$0x1A900] =	vst v63  }
0x193: {  	_ = 	snop  }
0x194: {  	[tilespmem:s25], [sflag:$0x5] =	stream.indirect_vreg.gather [hbm4b:s2+s3], $0x80, v3, vm0, $0xb8;
	[tilespmem:$0x1A900] =	vst v63  }
0x195: {  	v3 =	vld [tilespmem:s5+$0x20];
	_ =	sdelay $0x4  }
0x196: {  	v61 =	vshll.u32 v3, $0x1  }
0x197: {  	v3 =	vand.u32 $0x7, v3;
	v4 =	vand.u32 $0xFFFFFFF0, v61  }
0x198: {  	v3 =	vor.u32 v3, v4  }
0x199: {  	v4 =	vperm.xlane v3, v0;
	_ =	sdelay $0x1  }
0x19a: {  	v3 =	vperm.xlane v3, v2;
	v4 =	vadd.s32 v1, v4;
	_ =	sdelay $0x1  }
0x19b: {  	v3 =	vadd.s32 v1, v3;
	_ =	sdelay $0x2  }
0x19c: {  	[tilespmem:s26], [sflag:$0x5] =	stream.indirect_vreg.gather [hbm4b:s2+s3], $0x80, v4, vm0, $0xb8;
	[tilespmem:$0x1A900] =	vst v63  }
0x19d: {  	_ = 	snop  }
0x19e: {  	[tilespmem:s28], [sflag:$0x5] =	stream.indirect_vreg.gather [hbm4b:s2+s3], $0x80, v3, vm0, $0xb8;
	[tilespmem:$0x1A900] =	vst v63  }
0x19f: {  	v3 =	vld [tilespmem:s5+$0x30];
	_ =	sdelay $0x4  }
0x1a0: {  	v62 =	vshll.u32 v3, $0x1  }
0x1a1: {  	v3 =	vand.u32 $0x7, v3;
	v4 =	vand.u32 $0xFFFFFFF0, v62  }
0x1a2: {  	v3 =	vor.u32 v3, v4  }
0x1a3: {  	v4 =	vperm.xlane v3, v0;
	_ =	sdelay $0x1  }
0x1a4: {  	v3 =	vperm.xlane v3, v2;
	v4 =	vadd.s32 v1, v4;
	_ =	sdelay $0x1  }
0x1a5: {  	v3 =	vadd.s32 v1, v3;
	_ =	sdelay $0x2  }
0x1a6: {  	[tilespmem:s29], [sflag:$0x5] =	stream.indirect_vreg.gather [hbm4b:s2+s3], $0x80, v4, vm0, $0xb8;
	[tilespmem:$0x1A900] =	vst v63  }
0x1a7: {  	_ = 	snop  }
0x1a8: {  	[tilespmem:s30], [sflag:$0x5] =	stream.indirect_vreg.gather [hbm4b:s2+s3], $0x80, v3, vm0, $0xb8;
	[tilespmem:$0x1A900] =	vst v63  }
0x1a9: {  	v3 =	vld [tilespmem:s5+$0x40];
	_ =	sdelay $0x4  }
0x1aa: {  	v63 =	vshll.u32 v3, $0x1  }
0x1ab: {  	v3 =	vand.u32 $0x7, v3;
	v4 =	vand.u32 $0xFFFFFFF0, v63  }
0x1ac: {  	v3 =	vor.u32 v3, v4  }
0x1ad: {  	v4 =	vperm.xlane v3, v0;
	_ =	sdelay $0x1  }
0x1ae: {  	v3 =	vperm.xlane v3, v2;
	v4 =	vadd.s32 v1, v4;
	_ =	sdelay $0x1  }
0x1af: {  	v3 =	vadd.s32 v1, v3;
	_ =	sdelay $0x2  }
0x1b0: {  	[tilespmem:s31], [sflag:$0x5] =	stream.indirect_vreg.gather [hbm4b:s2+s3], $0x80, v4, vm0, $0xb8;
	[tilespmem:$0x1A900] =	vst v63  }
0x1b1: {  	_ = 	snop  }
0x1b2: {  	[tilespmem:s1], [sflag:$0x5] =	stream.indirect_vreg.gather [hbm4b:s2+s3], $0x80, v3, vm0, $0xb8;
	[tilespmem:$0x1A900] =	vst v63  }
.LBB2_6:
0x1b3: {  	s10 =	sadd.s32 $0xFFFFFFFB, s0  }
0x1b4: {  	p2 =	sge.u32 s10, s4  }
0x1b5: {  	s10 =	simm.s32 @!p2 $0x3  }
0x1b6: {  	_ =	swait.ge @!p2 [sflag:s10], $0x5000  }
0x1b7: {  	[sflag:s10] =	ssyncset.done @!p2 $0x0  }
0x1b8: {  	[sflag:s10] =	ssyncadd.s32 @!p2 $0xFFFFB000;
	s10 =	sadd.s32 @!p2 s6, s7  }
0x1b9: {  	s11 =	simm.s32 @!p2 $0x0;
	s12 =	simm.s32 @!p2 $0xB900;
	s10 =	sadd.s32 @!p2 $0x1400, s10  }
0x1ba: {  	[hbm4b:s10+s11] =	stream.linear.scatter @!p2 [tilespmem:s12], [sflag:$0x8], $0x5000, $0x38;
	[tilespmem:$0x1A900] =	vst v63  }
0x1bb: {  	s12 =	sadd.s32 $0xFFFFFFFE, s0  }
0x1bc: {  	p3 =	sge.u32 s12, s4  }
.Ltmp6:
0x1bd: {  	_ = 	snop;
	(pc) =	sbr.rel @p3 .LBB2_8-.Ltmp6, $4  }
0x1be: {  	s10 =	simm.s32 @!p0 $0x6  }
0x1bf: {  	_ =	swait.ge @!p0 [sflag:s10], $0x5000  }
0x1c0: {  	[sflag:s10] =	ssyncset.done @!p0 $0x0  }
0x1c1: {  	[sflag:s10] =	ssyncadd.s32 @!p0 $0xFFFFB000  }
0x1c2: {  	v3 =	vld [tilespmem:s5+$0x50];
	_ =	sdelay $0x4  }
0x1c3: {  	v4 =	vshll.u32 v3, $0x1  }
0x1c4: {  	v3 =	vand.u32 $0x7, v3;
	v4 =	vand.u32 $0xFFFFFFF0, v4  }
0x1c5: {  	v3 =	vor.u32 v3, v4  }
0x1c6: {  	v4 =	vperm.xlane v3, v0;
	_ =	sdelay $0x1  }
0x1c7: {  	v3 =	vperm.xlane v3, v2;
	v4 =	vadd.s32 v1, v4;
	_ =	sdelay $0x1  }
0x1c8: {  	v3 =	vadd.s32 v1, v3;
	_ =	sdelay $0x1  }
0x1c9: {  	s10 =	simm.s32 $0x1900  }
0x1ca: {  	[tilespmem:s10], [sflag:$0x1] =	stream.indirect_vreg.gather [hbm4b:s2+s3], $0x80, v4, vm0, $0xb8;
	[tilespmem:$0x1A900] =	vst v63  }
0x1cb: {  	s12 =	simm.s32 $0x2100  }
0x1cc: {  	[tilespmem:s12], [sflag:$0x1] =	stream.indirect_vreg.gather [hbm4b:s2+s3], $0x80, v3, vm0, $0xb8;
	[tilespmem:$0x1A900] =	vst v63  }
0x1cd: {  	v3 =	vld [tilespmem:s5+$0x60];
	_ =	sdelay $0x4  }
0x1ce: {  	v60 =	vshll.u32 v3, $0x1  }
0x1cf: {  	v3 =	vand.u32 $0x7, v3;
	v4 =	vand.u32 $0xFFFFFFF0, v60  }
0x1d0: {  	v3 =	vor.u32 v3, v4  }
0x1d1: {  	v4 =	vperm.xlane v3, v0;
	_ =	sdelay $0x1  }
0x1d2: {  	v3 =	vperm.xlane v3, v2;
	v4 =	vadd.s32 v1, v4;
	_ =	sdelay $0x1  }
0x1d3: {  	v3 =	vadd.s32 v1, v3;
	_ =	sdelay $0x1  }
0x1d4: {  	s11 =	simm.s32 $0x2900  }
0x1d5: {  	[tilespmem:s11], [sflag:$0x1] =	stream.indirect_vreg.gather [hbm4b:s2+s3], $0x80, v4, vm0, $0xb8;
	[tilespmem:$0x1A900] =	vst v63  }
0x1d6: {  	s12 =	simm.s32 $0x3100  }
0x1d7: {  	[tilespmem:s12], [sflag:$0x1] =	stream.indirect_vreg.gather [hbm4b:s2+s3], $0x80, v3, vm0, $0xb8;
	[tilespmem:$0x1A900] =	vst v63  }
0x1d8: {  	v3 =	vld [tilespmem:s5+$0x70];
	_ =	sdelay $0x4  }
0x1d9: {  	v61 =	vshll.u32 v3, $0x1  }
0x1da: {  	v3 =	vand.u32 $0x7, v3;
	v4 =	vand.u32 $0xFFFFFFF0, v61  }
0x1db: {  	v3 =	vor.u32 v3, v4  }
0x1dc: {  	v4 =	vperm.xlane v3, v0;
	_ =	sdelay $0x1  }
0x1dd: {  	v3 =	vperm.xlane v3, v2;
	v4 =	vadd.s32 v1, v4;
	_ =	sdelay $0x1  }
0x1de: {  	v3 =	vadd.s32 v1, v3;
	_ =	sdelay $0x1  }
0x1df: {  	s11 =	simm.s32 $0x3900  }
0x1e0: {  	[tilespmem:s11], [sflag:$0x1] =	stream.indirect_vreg.gather [hbm4b:s2+s3], $0x80, v4, vm0, $0xb8;
	[tilespmem:$0x1A900] =	vst v63  }
0x1e1: {  	s12 =	simm.s32 $0x4100  }
0x1e2: {  	[tilespmem:s12], [sflag:$0x1] =	stream.indirect_vreg.gather [hbm4b:s2+s3], $0x80, v3, vm0, $0xb8;
	[tilespmem:$0x1A900] =	vst v63  }
0x1e3: {  	v3 =	vld [tilespmem:s5+$0x80];
	_ =	sdelay $0x4  }
0x1e4: {  	v62 =	vshll.u32 v3, $0x1  }
0x1e5: {  	v3 =	vand.u32 $0x7, v3;
	v4 =	vand.u32 $0xFFFFFFF0, v62  }
0x1e6: {  	v3 =	vor.u32 v3, v4  }
0x1e7: {  	v4 =	vperm.xlane v3, v0;
	_ =	sdelay $0x1  }
0x1e8: {  	v3 =	vperm.xlane v3, v2;
	v4 =	vadd.s32 v1, v4;
	_ =	sdelay $0x1  }
0x1e9: {  	v3 =	vadd.s32 v1, v3;
	_ =	sdelay $0x1  }
0x1ea: {  	s11 =	simm.s32 $0x4900  }
0x1eb: {  	[tilespmem:s11], [sflag:$0x1] =	stream.indirect_vreg.gather [hbm4b:s2+s3], $0x80, v4, vm0, $0xb8;
	[tilespmem:$0x1A900] =	vst v63  }
0x1ec: {  	s12 =	simm.s32 $0x5100  }
0x1ed: {  	[tilespmem:s12], [sflag:$0x1] =	stream.indirect_vreg.gather [hbm4b:s2+s3], $0x80, v3, vm0, $0xb8;
	[tilespmem:$0x1A900] =	vst v63  }
0x1ee: {  	v3 =	vld [tilespmem:s5+$0x90];
	_ =	sdelay $0x4  }
0x1ef: {  	v63 =	vshll.u32 v3, $0x1  }
0x1f0: {  	v3 =	vand.u32 $0x7, v3;
	v4 =	vand.u32 $0xFFFFFFF0, v63  }
0x1f1: {  	v3 =	vor.u32 v3, v4  }
0x1f2: {  	v4 =	vperm.xlane v3, v0;
	_ =	sdelay $0x1  }
0x1f3: {  	v3 =	vperm.xlane v3, v2;
	v4 =	vadd.s32 v1, v4;
	_ =	sdelay $0x1  }
0x1f4: {  	v3 =	vadd.s32 v1, v3;
	_ =	sdelay $0x1  }
0x1f5: {  	s11 =	simm.s32 $0x5900  }
0x1f6: {  	[tilespmem:s11], [sflag:$0x1] =	stream.indirect_vreg.gather [hbm4b:s2+s3], $0x80, v4, vm0, $0xb8;
	[tilespmem:$0x1A900] =	vst v63  }
0x1f7: {  	s12 =	simm.s32 $0x6100  }
0x1f8: {  	[tilespmem:s12], [sflag:$0x1] =	stream.indirect_vreg.gather [hbm4b:s2+s3], $0x80, v3, vm0, $0xb8;
	[tilespmem:$0x1A900] =	vst v63  }
.LBB2_8:
0x1f9: {  	p0 =	sge.u32 s8, s4  }
0x1fa: {  	s8 =	simm.s32 @!p0 $0x4  }
0x1fb: {  	_ =	swait.ge @!p0 [sflag:s8], $0x5000  }
0x1fc: {  	[sflag:s8] =	ssyncset.done @!p0 $0x0  }
0x1fd: {  	s12 =	sadd.s32 $0xFFFFFFFF, s0;
	[sflag:s8] =	ssyncadd.s32 @!p0 $0xFFFFB000;
	s8 =	sadd.s32 @!p0 s6, s7  }
0x1fe: {  	s10 =	simm.s32 @!p0 $0x0;
	s11 =	simm.s32 @!p0 $0x10900;
	s8 =	sadd.s32 @!p0 $0x1E00, s8  }
0x1ff: {  	[hbm4b:s8+s10] =	stream.linear.scatter @!p0 [tilespmem:s11], [sflag:$0x9], $0x5000, $0x38;
	[tilespmem:$0x1A900] =	vst v63  }
0x200: {  	p0 =	sge.u32 s12, s4  }
.Ltmp7:
0x201: {  	_ = 	snop;
	(pc) =	sbr.rel @p0 .LBB2_10-.Ltmp7, $4  }
0x202: {  	s8 =	simm.s32 @!p1 $0x7  }
0x203: {  	_ =	swait.ge @!p1 [sflag:s8], $0x5000  }
0x204: {  	[sflag:s8] =	ssyncset.done @!p1 $0x0  }
0x205: {  	[sflag:s8] =	ssyncadd.s32 @!p1 $0xFFFFB000  }
0x206: {  	v3 =	vld [tilespmem:s5+$0xA0];
	_ =	sdelay $0x4  }
0x207: {  	v4 =	vshll.u32 v3, $0x1  }
0x208: {  	v3 =	vand.u32 $0x7, v3;
	v4 =	vand.u32 $0xFFFFFFF0, v4  }
0x209: {  	v3 =	vor.u32 v3, v4  }
0x20a: {  	v4 =	vperm.xlane v3, v0;
	_ =	sdelay $0x1  }
0x20b: {  	v3 =	vperm.xlane v3, v2;
	v4 =	vadd.s32 v1, v4;
	_ =	sdelay $0x1  }
0x20c: {  	v3 =	vadd.s32 v1, v3;
	_ =	sdelay $0x1  }
0x20d: {  	s8 =	simm.s32 $0x6900  }
0x20e: {  	[tilespmem:s8], [sflag:$0x2] =	stream.indirect_vreg.gather [hbm4b:s2+s3], $0x80, v4, vm0, $0xb8;
	[tilespmem:$0x1A900] =	vst v63  }
0x20f: {  	s10 =	simm.s32 $0x7100  }
0x210: {  	[tilespmem:s10], [sflag:$0x2] =	stream.indirect_vreg.gather [hbm4b:s2+s3], $0x80, v3, vm0, $0xb8;
	[tilespmem:$0x1A900] =	vst v63  }
0x211: {  	v3 =	vld [tilespmem:s5+$0xB0];
	_ =	sdelay $0x4  }
0x212: {  	v60 =	vshll.u32 v3, $0x1  }
0x213: {  	v3 =	vand.u32 $0x7, v3;
	v4 =	vand.u32 $0xFFFFFFF0, v60  }
0x214: {  	v3 =	vor.u32 v3, v4  }
0x215: {  	v4 =	vperm.xlane v3, v0;
	_ =	sdelay $0x1  }
0x216: {  	v3 =	vperm.xlane v3, v2;
	v4 =	vadd.s32 v1, v4;
	_ =	sdelay $0x1  }
0x217: {  	v3 =	vadd.s32 v1, v3;
	_ =	sdelay $0x1  }
0x218: {  	s11 =	simm.s32 $0x7900  }
0x219: {  	[tilespmem:s11], [sflag:$0x2] =	stream.indirect_vreg.gather [hbm4b:s2+s3], $0x80, v4, vm0, $0xb8;
	[tilespmem:$0x1A900] =	vst v63  }
0x21a: {  	s12 =	simm.s32 $0x8100  }
0x21b: {  	[tilespmem:s12], [sflag:$0x2] =	stream.indirect_vreg.gather [hbm4b:s2+s3], $0x80, v3, vm0, $0xb8;
	[tilespmem:$0x1A900] =	vst v63  }
0x21c: {  	v3 =	vld [tilespmem:s5+$0xC0];
	_ =	sdelay $0x4  }
0x21d: {  	v61 =	vshll.u32 v3, $0x1  }
0x21e: {  	v3 =	vand.u32 $0x7, v3;
	v4 =	vand.u32 $0xFFFFFFF0, v61  }
0x21f: {  	v3 =	vor.u32 v3, v4  }
0x220: {  	v4 =	vperm.xlane v3, v0;
	_ =	sdelay $0x1  }
0x221: {  	v3 =	vperm.xlane v3, v2;
	v4 =	vadd.s32 v1, v4;
	_ =	sdelay $0x1  }
0x222: {  	v3 =	vadd.s32 v1, v3;
	_ =	sdelay $0x1  }
0x223: {  	s10 =	simm.s32 $0x8900  }
0x224: {  	[tilespmem:s10], [sflag:$0x2] =	stream.indirect_vreg.gather [hbm4b:s2+s3], $0x80, v4, vm0, $0xb8;
	[tilespmem:$0x1A900] =	vst v63  }
0x225: {  	s11 =	simm.s32 $0x9100  }
0x226: {  	[tilespmem:s11], [sflag:$0x2] =	stream.indirect_vreg.gather [hbm4b:s2+s3], $0x80, v3, vm0, $0xb8;
	[tilespmem:$0x1A900] =	vst v63  }
0x227: {  	v3 =	vld [tilespmem:s5+$0xD0];
	_ =	sdelay $0x4  }
0x228: {  	v62 =	vshll.u32 v3, $0x1  }
0x229: {  	v3 =	vand.u32 $0x7, v3;
	v4 =	vand.u32 $0xFFFFFFF0, v62  }
0x22a: {  	v3 =	vor.u32 v3, v4  }
0x22b: {  	v4 =	vperm.xlane v3, v0;
	_ =	sdelay $0x1  }
0x22c: {  	v3 =	vperm.xlane v3, v2;
	v4 =	vadd.s32 v1, v4;
	_ =	sdelay $0x1  }
0x22d: {  	v3 =	vadd.s32 v1, v3;
	_ =	sdelay $0x1  }
0x22e: {  	s12 =	simm.s32 $0x9900  }
0x22f: {  	[tilespmem:s12], [sflag:$0x2] =	stream.indirect_vreg.gather [hbm4b:s2+s3], $0x80, v4, vm0, $0xb8;
	[tilespmem:$0x1A900] =	vst v63  }
0x230: {  	s10 =	simm.s32 $0xA100  }
0x231: {  	[tilespmem:s10], [sflag:$0x2] =	stream.indirect_vreg.gather [hbm4b:s2+s3], $0x80, v3, vm0, $0xb8;
	[tilespmem:$0x1A900] =	vst v63  }
0x232: {  	v3 =	vld [tilespmem:s5+$0xE0];
	_ =	sdelay $0x4  }
0x233: {  	v63 =	vshll.u32 v3, $0x1  }
0x234: {  	v3 =	vand.u32 $0x7, v3;
	v4 =	vand.u32 $0xFFFFFFF0, v63  }
0x235: {  	v3 =	vor.u32 v3, v4  }
0x236: {  	v4 =	vperm.xlane v3, v0;
	_ =	sdelay $0x1  }
0x237: {  	v3 =	vperm.xlane v3, v2;
	v4 =	vadd.s32 v1, v4;
	_ =	sdelay $0x1  }
0x238: {  	v3 =	vadd.s32 v1, v3;
	_ =	sdelay $0x1  }
0x239: {  	s11 =	simm.s32 $0xA900  }
0x23a: {  	[tilespmem:s11], [sflag:$0x2] =	stream.indirect_vreg.gather [hbm4b:s2+s3], $0x80, v4, vm0, $0xb8;
	[tilespmem:$0x1A900] =	vst v63  }
0x23b: {  	s12 =	simm.s32 $0xB100  }
0x23c: {  	[tilespmem:s12], [sflag:$0x2] =	stream.indirect_vreg.gather [hbm4b:s2+s3], $0x80, v3, vm0, $0xb8;
	[tilespmem:$0x1A900] =	vst v63  }
.LBB2_10:
0x23d: {  	p0 =	sge.u32 s9, s4  }
0x23e: {  	s8 =	simm.s32 @!p0 $0x5  }
0x23f: {  	_ =	swait.ge @!p0 [sflag:s8], $0x5000  }
0x240: {  	[sflag:s8] =	ssyncset.done @!p0 $0x0  }
0x241: {  	[sflag:s8] =	ssyncadd.s32 @!p0 $0xFFFFB000;
	s8 =	sadd.s32 @!p0 s6, s7  }
0x242: {  	s9 =	simm.s32 @!p0 $0x0;
	s10 =	simm.s32 @!p0 $0x15900;
	s8 =	sadd.s32 @!p0 $0x2800, s8  }
0x243: {  	[hbm4b:s8+s9] =	stream.linear.scatter @!p0 [tilespmem:s10], [sflag:$0xA], $0x5000, $0x38;
	[tilespmem:$0x1A900] =	vst v63  }
0x244: {  	p0 =	sge.u32 s0, s4  }
.Ltmp8:
0x245: {  	_ = 	snop;
	(pc) =	sbr.rel @p0 .LBB2_12-.Ltmp8, $4  }
0x246: {  	s8 =	simm.s32 @!p2 $0x8  }
0x247: {  	_ =	swait.ge @!p2 [sflag:s8], $0x5000  }
0x248: {  	[sflag:s8] =	ssyncset.done @!p2 $0x0  }
0x249: {  	[sflag:s8] =	ssyncadd.s32 @!p2 $0xFFFFB000  }
0x24a: {  	v3 =	vld [tilespmem:s5+$0xF0];
	_ =	sdelay $0x4  }
0x24b: {  	v4 =	vshll.u32 v3, $0x1  }
0x24c: {  	v3 =	vand.u32 $0x7, v3;
	v4 =	vand.u32 $0xFFFFFFF0, v4  }
0x24d: {  	v3 =	vor.u32 v3, v4  }
0x24e: {  	v4 =	vperm.xlane v3, v0;
	_ =	sdelay $0x1  }
0x24f: {  	v3 =	vperm.xlane v3, v2;
	v4 =	vadd.s32 v1, v4;
	_ =	sdelay $0x1  }
0x250: {  	v3 =	vadd.s32 v1, v3;
	_ =	sdelay $0x1  }
0x251: {  	s8 =	simm.s32 $0xB900  }
0x252: {  	[tilespmem:s8], [sflag:$0x3] =	stream.indirect_vreg.gather [hbm4b:s2+s3], $0x80, v4, vm0, $0xb8;
	[tilespmem:$0x1A900] =	vst v63  }
0x253: {  	s12 =	simm.s32 $0xC100  }
0x254: {  	[tilespmem:s12], [sflag:$0x3] =	stream.indirect_vreg.gather [hbm4b:s2+s3], $0x80, v3, vm0, $0xb8;
	[tilespmem:$0x1A900] =	vst v63  }
0x255: {  	v3 =	vld [tilespmem:s5+$0x100];
	_ =	sdelay $0x4  }
0x256: {  	v60 =	vshll.u32 v3, $0x1  }
0x257: {  	v3 =	vand.u32 $0x7, v3;
	v4 =	vand.u32 $0xFFFFFFF0, v60  }
0x258: {  	v3 =	vor.u32 v3, v4  }
0x259: {  	v4 =	vperm.xlane v3, v0;
	_ =	sdelay $0x1  }
0x25a: {  	v3 =	vperm.xlane v3, v2;
	v4 =	vadd.s32 v1, v4;
	_ =	sdelay $0x1  }
0x25b: {  	v3 =	vadd.s32 v1, v3;
	_ =	sdelay $0x1  }
0x25c: {  	s9 =	simm.s32 $0xC900  }
0x25d: {  	[tilespmem:s9], [sflag:$0x3] =	stream.indirect_vreg.gather [hbm4b:s2+s3], $0x80, v4, vm0, $0xb8;
	[tilespmem:$0x1A900] =	vst v63  }
0x25e: {  	s10 =	simm.s32 $0xD100  }
0x25f: {  	[tilespmem:s10], [sflag:$0x3] =	stream.indirect_vreg.gather [hbm4b:s2+s3], $0x80, v3, vm0, $0xb8;
	[tilespmem:$0x1A900] =	vst v63  }
0x260: {  	v3 =	vld [tilespmem:s5+$0x110];
	_ =	sdelay $0x4  }
0x261: {  	v61 =	vshll.u32 v3, $0x1  }
0x262: {  	v3 =	vand.u32 $0x7, v3;
	v4 =	vand.u32 $0xFFFFFFF0, v61  }
0x263: {  	v3 =	vor.u32 v3, v4  }
0x264: {  	v4 =	vperm.xlane v3, v0;
	_ =	sdelay $0x1  }
0x265: {  	v3 =	vperm.xlane v3, v2;
	v4 =	vadd.s32 v1, v4;
	_ =	sdelay $0x1  }
0x266: {  	v3 =	vadd.s32 v1, v3;
	_ =	sdelay $0x1  }
0x267: {  	s11 =	simm.s32 $0xD900  }
0x268: {  	[tilespmem:s11], [sflag:$0x3] =	stream.indirect_vreg.gather [hbm4b:s2+s3], $0x80, v4, vm0, $0xb8;
	[tilespmem:$0x1A900] =	vst v63  }
0x269: {  	s12 =	simm.s32 $0xE100  }
0x26a: {  	[tilespmem:s12], [sflag:$0x3] =	stream.indirect_vreg.gather [hbm4b:s2+s3], $0x80, v3, vm0, $0xb8;
	[tilespmem:$0x1A900] =	vst v63  }
0x26b: {  	v3 =	vld [tilespmem:s5+$0x120];
	_ =	sdelay $0x4  }
0x26c: {  	v62 =	vshll.u32 v3, $0x1  }
0x26d: {  	v3 =	vand.u32 $0x7, v3;
	v4 =	vand.u32 $0xFFFFFFF0, v62  }
0x26e: {  	v3 =	vor.u32 v3, v4  }
0x26f: {  	v4 =	vperm.xlane v3, v0;
	_ =	sdelay $0x1  }
0x270: {  	v3 =	vperm.xlane v3, v2;
	v4 =	vadd.s32 v1, v4;
	_ =	sdelay $0x1  }
0x271: {  	v3 =	vadd.s32 v1, v3;
	_ =	sdelay $0x1  }
0x272: {  	s9 =	simm.s32 $0xE900  }
0x273: {  	[tilespmem:s9], [sflag:$0x3] =	stream.indirect_vreg.gather [hbm4b:s2+s3], $0x80, v4, vm0, $0xb8;
	[tilespmem:$0x1A900] =	vst v63  }
0x274: {  	s10 =	simm.s32 $0xF100  }
0x275: {  	[tilespmem:s10], [sflag:$0x3] =	stream.indirect_vreg.gather [hbm4b:s2+s3], $0x80, v3, vm0, $0xb8;
	[tilespmem:$0x1A900] =	vst v63  }
0x276: {  	v3 =	vld [tilespmem:s5+$0x130];
	_ =	sdelay $0x4  }
0x277: {  	v63 =	vshll.u32 v3, $0x1  }
0x278: {  	v3 =	vand.u32 $0x7, v3;
	v4 =	vand.u32 $0xFFFFFFF0, v63  }
0x279: {  	v3 =	vor.u32 v3, v4  }
0x27a: {  	v4 =	vperm.xlane v3, v0;
	_ =	sdelay $0x1  }
0x27b: {  	v3 =	vperm.xlane v3, v2;
	v4 =	vadd.s32 v1, v4;
	_ =	sdelay $0x1  }
0x27c: {  	v3 =	vadd.s32 v1, v3  }
.Ltmp9:
0x27d: {  	_ = 	snop;
	(pc) =	sbr.rel .LBB2_12-.Ltmp9, $4  }
0x27e: {  	s11 =	simm.s32 $0xF900  }
0x27f: {  	[tilespmem:s11], [sflag:$0x3] =	stream.indirect_vreg.gather [hbm4b:s2+s3], $0x80, v4, vm0, $0xb8;
	[tilespmem:$0x1A900] =	vst v63  }
0x280: {  	s12 =	simm.s32 $0x10100  }
0x281: {  	[tilespmem:s12], [sflag:$0x3] =	stream.indirect_vreg.gather [hbm4b:s2+s3], $0x80, v3, vm0, $0xb8;
	[tilespmem:$0x1A900] =	vst v63  }
.LBB2_14:
0x282: {  	_ =	sfence.sel $0x180000  }
0x283: {  	[bflag:$0x0] =	sbarrier.arrive $0xFFFF  }
0x284: {  	_ =	strace $0x90000047  }
0x285: {  	s0 =	stileid.u32;
	[bflag:$0x2] =	sbarrier.arrive $0xFFFF  }
0x286: {  	p0 =	sne.s32 s0, $0x0;
	s0 =	rddreg [dreg:$0x3]  }
0x287: {  	s0 =	sadd.s32 @!p0 $0x100000, s0  }
0x288: {  	[sflag:s0] =	ssyncadd.tile.s32 @!p0 $0x1;
	_ =	shalt  }
.Lfunc_end2:
_tile_overlayer_lowered:
.L_overlay_start_2:
0x289: {  	(tag) =	ssettag $0x2  }
0x28a: {  	s0 =	rddreg [dreg:$0x0];
	s2 =	stileid.u32  }
0x28b: {  	s1 =	rddreg [dreg:$0x1];
	p0 =	sne.s32 s2, $0x0  }
0x28c: {  	s3 =	rddreg [dreg:$0x2];
	[bflag:$0x3] =	sbarrier.arrive $0xFFFF;
	s2 =	simm.s32 @!p0 $0x1C0B  }
0x28d: {  	[timem:s3], [sflag:s2] =	dma.local @!p0 [hbm:s0], s1  }
0x28e: {  	s0 =	simm.s32 @!p0 $0xB  }
0x28f: {  	_ =	swait.ge @!p0 [sflag:s0], s1  }
0x290: {  	s1 =	ssub.s32 @!p0 $0x0, s1;
	[sflag:s0] =	ssyncset.done @!p0 $0x0  }
0x291: {  	[sflag:s0] =	ssyncadd.s32 @!p0 s1  }
0x292: {  	[bflag:$0x3] =	sbarrier.arrive $0xFFFF  }
0x293: {  	_ =	shalt  }

</sc_bundles>
